<compile_context>
chip_gen: v7x
topology: tpu7x:2x2x1
jax: 0.10.2.dev20260603
libtpu: 0.0.44.dev20260713+nightly
codegen_flags: <defaults>
</compile_context>

<pallas_src>
import functools

import jax
import jax.numpy as jnp
from jax import lax
from jax.experimental import pallas as pl
from jax.experimental.pallas import tpu as pltpu
from jax.experimental.pallas import tpu_sc as plsc


def _knn_body(x1_ref, x2t_ref, idx_ref, wts_ref, *, m):
    bi = pl.program_id(0)

    x1 = x1_ref[0]
    x2t = x2t_ref[0]
    dot = lax.dot_general(x1, x2t, (((1,), (0,)), ((), ())),
                          preferred_element_type=jnp.float32)
    x1sq = jnp.sum(x1 * x1, axis=1, keepdims=True)
    x2sq = jnp.sum(x2t * x2t, axis=0, keepdims=True)
    d2 = x1sq + x2sq - 2.0 * dot

    tn = d2.shape[0]
    iota = lax.broadcasted_iota(jnp.int32, (tn, m), 1).astype(jnp.float32)
    fm = jnp.float32(m)
    work = d2
    vals = []
    idxs = []
    for k in range(3):
        mv = jnp.min(work, axis=1, keepdims=True)
        mi = jnp.min(jnp.where(work == mv, iota, fm), axis=1, keepdims=True)
        idxs.append(mi)
        vals.append(mv)
        if k < 2:
            work = jnp.where(iota == mi, jnp.inf, work)

    rs = [1.0 / jnp.clip(v, 0.0, 1e-10) for v in vals]
    norm = rs[0] + rs[1] + rs[2]
    wts_ref[0] = jnp.concatenate(
        [rs[0] / norm, rs[1] / norm, rs[2] / norm], axis=1)
    gbase = (bi * m).astype(jnp.float32)
    idx_ref[0] = jnp.concatenate(
        [(g + gbase).astype(jnp.int32).T for g in idxs], axis=0)


def _make_sc_gather(n_rows, d, n_workers):
    mesh = plsc.VectorSubcoreMesh(core_axis_name="c", subcore_axis_name="s")
    rpw = n_rows // n_workers
    blk = 1024
    grp = 128
    nblk = rpw // blk

    @functools.partial(
        pl.kernel, mesh=mesh,
        out_type=jax.ShapeDtypeStruct((n_rows, d), jnp.float32),
        compiler_params=pltpu.CompilerParams(use_tc_tiling_on_sc=False),
        scratch_types=[
            pltpu.VMEM((blk,), jnp.int32),
            pltpu.VMEM((blk, d), jnp.float32),
            pltpu.SemaphoreType.DMA,
        ],
    )
    def gather(idx_hbm, table_hbm, out_hbm, idx_v, rows_v, sem):
        wid = lax.axis_index("s") * 2 + lax.axis_index("c")
        base = wid * rpw

        def body(i, carry):
            off = base + i * blk
            pltpu.sync_copy(idx_hbm.at[pl.ds(off, blk)], idx_v)
            copies = [
                pltpu.async_copy(table_hbm.at[idx_v.at[pl.ds(j * grp, grp)]],
                                 rows_v.at[pl.ds(j * grp, grp)], sem)
                for j in range(blk // grp)
            ]
            for cp in copies:
                cp.wait()
            pltpu.sync_copy(rows_v, out_hbm.at[pl.ds(off, blk)])
            return carry

        lax.fori_loop(0, nblk, body, 0)

    return gather


def _interp_mlp0_body(g_ref, w_ref, p1_ref, w0t_ref, b0_ref,
                      y0_ref, s_ref, q_ref, *, c2):
    bi = pl.program_id(0)
    ti = pl.program_id(1)
    w = w_ref[0]
    interp = (w[:, 0:1] * g_ref[0, 0]
              + w[:, 1:2] * g_ref[0, 1]
              + w[:, 2:3] * g_ref[0, 2])
    y0 = (lax.dot_general(interp, w0t_ref[:c2, :], (((1,), (0,)), ((), ())),
                          preferred_element_type=jnp.float32)
          + lax.dot_general(p1_ref[0], w0t_ref[c2:, :],
                            (((1,), (0,)), ((), ())),
                            preferred_element_type=jnp.float32)
          + b0_ref[...])
    y0_ref[0] = y0

    @pl.when(jnp.logical_and(bi == 0, ti == 0))
    def _init():
        s_ref[...] = jnp.zeros_like(s_ref)
        q_ref[...] = jnp.zeros_like(q_ref)

    s_ref[...] += jnp.sum(y0, axis=0, keepdims=True)
    q_ref[...] += jnp.sum(y0 * y0, axis=0, keepdims=True)


def _mlp1_body(y0_ref, s0_ref, q0_ref, g0_ref, be0_ref, w1t_ref, b1_ref,
               y1_ref, s_ref, q_ref, *, inv_cnt):
    bi = pl.program_id(0)
    ti = pl.program_id(1)
    mean0 = s0_ref[...] * inv_cnt
    var0 = q0_ref[...] * inv_cnt - mean0 * mean0
    a0 = g0_ref[...] / jnp.sqrt(var0 + 1e-5)
    c0 = be0_ref[...] - mean0 * a0
    h = jnp.maximum(y0_ref[0] * a0 + c0, 0.0)
    y1 = lax.dot_general(h, w1t_ref[...], (((1,), (0,)), ((), ())),
                         preferred_element_type=jnp.float32) + b1_ref[...]
    y1_ref[0] = y1

    @pl.when(jnp.logical_and(bi == 0, ti == 0))
    def _init():
        s_ref[...] = jnp.zeros_like(s_ref)
        q_ref[...] = jnp.zeros_like(q_ref)

    s_ref[...] += jnp.sum(y1, axis=0, keepdims=True)
    q_ref[...] += jnp.sum(y1 * y1, axis=0, keepdims=True)


def _finalize_body(y1_ref, s1_ref, q1_ref, g1_ref, be1_ref, out_ref, *,
                   inv_cnt):
    mean1 = s1_ref[...] * inv_cnt
    var1 = q1_ref[...] * inv_cnt - mean1 * mean1
    a1 = g1_ref[...] / jnp.sqrt(var1 + 1e-5)
    c1 = be1_ref[...] - mean1 * a1
    z = jnp.maximum(y1_ref[0] * a1 + c1, 0.0)
    out_ref[0] = z.T


@jax.jit
def _run(xyz1, xyz2, points1, points2, W0, b0, g0, be0, W1, b1, g1, be1):
    b, n, _ = xyz1.shape
    m = xyz2.shape[1]
    c1 = points1.shape[2]
    c2 = points2.shape[2]
    cin = c1 + c2
    co0 = W0.shape[0]
    co1 = W1.shape[0]
    f32 = jnp.float32

    tn = min(2048, n)
    grid = (b, n // tn)

    xyz2t = jnp.transpose(xyz2, (0, 2, 1))
    w0t = W0.T
    w1t = W1.T
    b0r = b0.reshape(1, co0)
    b1r = b1.reshape(1, co1)

    idx3, wts3 = pl.pallas_call(
        functools.partial(_knn_body, m=m),
        grid=grid,
        in_specs=[
            pl.BlockSpec((1, tn, 3), lambda bi, ti: (bi, ti, 0)),
            pl.BlockSpec((1, 3, m), lambda bi, ti: (bi, 0, 0)),
        ],
        out_specs=[
            pl.BlockSpec((1, 3, tn), lambda bi, ti: (bi, 0, ti)),
            pl.BlockSpec((1, tn, 3), lambda bi, ti: (bi, ti, 0)),
        ],
        out_shape=[
            jax.ShapeDtypeStruct((b, 3, n), jnp.int32),
            jax.ShapeDtypeStruct((b, n, 3), f32),
        ],
        compiler_params=pltpu.CompilerParams(
            vmem_limit_bytes=112 * 1024 * 1024),
    )(xyz1, xyz2t)

    idx_flat = idx3.reshape(3 * b * n)
    table = points2.reshape(b * m, c2)
    gathered = _make_sc_gather(3 * b * n, c2, 32)(idx_flat, table)
    g4 = gathered.reshape(b, 3, n, c2)

    y0, s0, q0 = pl.pallas_call(
        functools.partial(_interp_mlp0_body, c2=c2),
        grid=grid,
        in_specs=[
            pl.BlockSpec((1, 3, tn, c2), lambda bi, ti: (bi, 0, ti, 0)),
            pl.BlockSpec((1, tn, 3), lambda bi, ti: (bi, ti, 0)),
            pl.BlockSpec((1, tn, c1), lambda bi, ti: (bi, ti, 0)),
            pl.BlockSpec((cin, co0), lambda bi, ti: (0, 0)),
            pl.BlockSpec((1, co0), lambda bi, ti: (0, 0)),
        ],
        out_specs=[
            pl.BlockSpec((1, tn, co0), lambda bi, ti: (bi, ti, 0)),
            pl.BlockSpec((1, co0), lambda bi, ti: (0, 0)),
            pl.BlockSpec((1, co0), lambda bi, ti: (0, 0)),
        ],
        out_shape=[
            jax.ShapeDtypeStruct((b, n, co0), f32),
            jax.ShapeDtypeStruct((1, co0), f32),
            jax.ShapeDtypeStruct((1, co0), f32),
        ],
    )(g4, wts3, points1, w0t, b0r)

    inv_cnt = 1.0 / float(b * n)
    g0r = g0.reshape(1, co0)
    be0r = be0.reshape(1, co0)
    g1r = g1.reshape(1, co1)
    be1r = be1.reshape(1, co1)

    y1, s1, q1 = pl.pallas_call(
        functools.partial(_mlp1_body, inv_cnt=inv_cnt),
        grid=grid,
        in_specs=[
            pl.BlockSpec((1, tn, co0), lambda bi, ti: (bi, ti, 0)),
            pl.BlockSpec((1, co0), lambda bi, ti: (0, 0)),
            pl.BlockSpec((1, co0), lambda bi, ti: (0, 0)),
            pl.BlockSpec((1, co0), lambda bi, ti: (0, 0)),
            pl.BlockSpec((1, co0), lambda bi, ti: (0, 0)),
            pl.BlockSpec((co0, co1), lambda bi, ti: (0, 0)),
            pl.BlockSpec((1, co1), lambda bi, ti: (0, 0)),
        ],
        out_specs=[
            pl.BlockSpec((1, tn, co1), lambda bi, ti: (bi, ti, 0)),
            pl.BlockSpec((1, co1), lambda bi, ti: (0, 0)),
            pl.BlockSpec((1, co1), lambda bi, ti: (0, 0)),
        ],
        out_shape=[
            jax.ShapeDtypeStruct((b, n, co1), f32),
            jax.ShapeDtypeStruct((1, co1), f32),
            jax.ShapeDtypeStruct((1, co1), f32),
        ],
    )(y0, s0, q0, g0r, be0r, w1t, b1r)

    out = pl.pallas_call(
        functools.partial(_finalize_body, inv_cnt=inv_cnt),
        grid=grid,
        in_specs=[
            pl.BlockSpec((1, tn, co1), lambda bi, ti: (bi, ti, 0)),
            pl.BlockSpec((1, co1), lambda bi, ti: (0, 0)),
            pl.BlockSpec((1, co1), lambda bi, ti: (0, 0)),
            pl.BlockSpec((1, co1), lambda bi, ti: (0, 0)),
            pl.BlockSpec((1, co1), lambda bi, ti: (0, 0)),
        ],
        out_specs=pl.BlockSpec((1, co1, tn), lambda bi, ti: (bi, 0, ti)),
        out_shape=jax.ShapeDtypeStruct((b, co1, n), f32),
    )(y1, s1, q1, g1r, be1r)

    return out


def kernel(xyz1, xyz2, points1, points2, W0, b0, g0, be0, W1, b1, g1, be1):
    return _run(xyz1, xyz2, points1, points2, W0, b0, g0, be0,
                W1, b1, g1, be1)

# --- scband reference (transcript-rebuilt; emitter-appended) ---
"""Pipeline reference for scband-pointnet-fp-module-33071248179394 (READ-ONLY COPY).

The authoritative reference and input builder live on the scoring server;
editing this copy changes nothing except your own understanding.
"""

import jax, jax.numpy as jnp
import numpy as np


def setup_inputs(seed: int = 0) -> dict:
    key = jax.random.key(seed)
    ks = jax.random.split(key, 8)
    b, n, m = 8, 8192, 2048
    c1, c2 = 64, 64
    cin = c1 + c2  # 128
    mlp = [128, 128]
    xyz1 = jax.random.uniform(ks[0], (b, n, 3), dtype=jnp.float32)
    xyz2 = jax.random.uniform(ks[1], (b, m, 3), dtype=jnp.float32)
    points1 = jax.random.normal(ks[2], (b, n, c1), dtype=jnp.float32)
    points2 = jax.random.normal(ks[3], (b, m, c2), dtype=jnp.float32)
    W0 = jax.random.normal(ks[4], (mlp[0], cin), dtype=jnp.float32) * 0.05
    b0 = jnp.zeros((mlp[0],), dtype=jnp.float32)
    g0 = jnp.ones((mlp[0],), dtype=jnp.float32)
    be0 = jnp.zeros((mlp[0],), dtype=jnp.float32)
    W1 = jax.random.normal(ks[5], (mlp[1], mlp[0]), dtype=jnp.float32) * 0.05
    b1 = jnp.zeros((mlp[1],), dtype=jnp.float32)
    g1 = jnp.ones((mlp[1],), dtype=jnp.float32)
    be1 = jnp.zeros((mlp[1],), dtype=jnp.float32)
    return {"xyz1": xyz1, "xyz2": xyz2, "points1": points1, "points2": points2,
            "W0": W0, "b0": b0, "g0": g0, "be0": be0,
            "W1": W1, "b1": b1, "g1": g1, "be1": be1}


def _conv_bn_relu(x, W, b, g, be):
    # x: [B, N, Cin]; 1x1 conv == linear over channels
    y = jnp.einsum('bnc,oc->bno', x, W) + b
    # BatchNorm2d in training mode: stats over batch and spatial dims, biased var
    mean = jnp.mean(y, axis=(0, 1), keepdims=True)
    var = jnp.var(y, axis=(0, 1), keepdims=True)
    y = (y - mean) / jnp.sqrt(var + 1e-5)
    y = y * g + be
    return jax.nn.relu(y)


def reference(xyz1, xyz2, points1, points2, W0, b0, g0, be0, W1, b1, g1, be1):
    # three_nn: 3 nearest neighbors of each xyz1 point among xyz2 (squared distances)
    x1sq = jnp.sum(xyz1 * xyz1, axis=-1, keepdims=True)          # [b,n,1]
    x2sq = jnp.sum(xyz2 * xyz2, axis=-1)[:, None, :]              # [b,1,m]
    d2 = x1sq + x2sq - 2.0 * jnp.einsum('bnc,bmc->bnm', xyz1, xyz2)  # [b,n,m]
    neg_vals, idx = jax.lax.top_k(-d2, 3)                         # smallest 3 dists
    dist = -neg_vals                                              # [b,n,3]
    # Hardtanh(min=0, max=1e-10) applied to dist (faithful to module)
    dist = jnp.clip(dist, 0.0, 1e-10)
    norm = jnp.sum(1.0 / dist, axis=2, keepdims=True)             # [b,n,1]
    weight = 1.0 / dist / norm                                    # [b,n,3]
    # three_interpolate: gather points2 features at idx, weighted sum
    gathered = jax.vmap(lambda p, i: p[i])(points2, idx)          # [b,n,3,c2]
    interp = jnp.sum(gathered * weight[..., None], axis=2)        # [b,n,c2]
    x = jnp.concatenate([interp, points1], axis=2)                # [b,n,c2+c1]
    x = _conv_bn_relu(x, W0, b0, g0, be0)
    x = _conv_bn_relu(x, W1, b1, g1, be1)
    # original returns [b, C, n] after squeeze(2)
    return jnp.transpose(x, (0, 2, 1))

if __name__ == "__main__":
    import jax
    _d = setup_inputs()
    print(jax.jit(kernel)(*tuple(_d.values())))

</pallas_src>

<mosaic_0001>
#map = affine_map<(d0, d1) -> (0)>
#map1 = affine_map<(d0, d1) -> (0, 0)>
module attributes {stable_mosaic.version = 14 : i64} {
  func.func @gather(%arg0: i32, %arg1: i32, %arg2: memref<196608xi32, #tpu.memory_space<hbm>>, %arg3: memref<16384x64xf32, #tpu.memory_space<hbm>>, %arg4: memref<196608x64xf32, #tpu.memory_space<hbm>>, %arg5: memref<1024xi32, #tpu.memory_space<vmem>>, %arg6: memref<1024x64xf32, #tpu.memory_space<vmem>>, %arg7: memref<!tpu.dma_semaphore, #tpu.memory_space<semaphore_mem>>) attributes {dimension_semantics = [#tpu.dimension_semantics<core_parallel>, #tpu.dimension_semantics<subcore_parallel>], iteration_bounds = array<i64: 2, 16>, scalar_prefetch = 0 : i64, scratch_operands = 3 : i64, tpu.core_type = #tpu.core_type<sc_vector_subcore>, window_params = [{transform_indices = #map}, {transform_indices = #map1}, {transform_indices = #map1}]} {
    %mul3A = arith.constant 2 : i32
    %mul3A_0 = arith.muli %arg1, %mul3A : i32
    %add3A = arith.addi %mul3A_0, %arg0 : i32
    %mul3A_1 = arith.constant 6144 : i32
    %mul3A_2 = arith.muli %add3A, %mul3A_1 : i32
    %scan3A = arith.constant 0 : i32
    %scan3A_3 = arith.constant 0 : i32
    %scan3A_4 = arith.constant 6 : i32
    %scan3A_5 = arith.addi %scan3A_3, %scan3A_4 : i32
    %scan3A_6 = arith.constant 1 : i32
    scf.for %scan3A_8 = %scan3A_3 to %scan3A_5 step %scan3A_6  : i32 {
      %mul3A_9 = arith.constant 1024 : i32
      %mul3A_10 = arith.muli %scan3A_8, %mul3A_9 : i32
      %add3A_11 = arith.addi %mul3A_2, %mul3A_10 : i32
      "tpu.region"() ({
        %run_scoped3A = tpu.sem_alloc : memref<!tpu.dma_semaphore, #tpu.memory_space<semaphore_mem>>
        %dma_start3A_138 = tpu.memref_slice %arg2[%add3A_11] : memref<196608xi32, #tpu.memory_space<hbm>> -> memref<1024xi32, #tpu.memory_space<hbm>>
        %dma_start3A_139 = tpu.memref_slice %arg2[%add3A_11] : memref<196608xi32, #tpu.memory_space<hbm>> -> memref<1024xi32, #tpu.memory_space<hbm>>
        tpu.enqueue_dma source(%dma_start3A_139 : memref<1024xi32, #tpu.memory_space<hbm>>) target(%arg5 : memref<1024xi32, #tpu.memory_space<vmem>>) target_semaphore(%run_scoped3A : memref<!tpu.dma_semaphore, #tpu.memory_space<semaphore_mem>>)
        %dma_wait3A_140 = tpu.memref_slice %arg2[%add3A_11] : memref<196608xi32, #tpu.memory_space<hbm>> -> memref<1024xi32, #tpu.memory_space<hbm>>
        %dma_wait3A_141 = tpu.memref_slice %arg2[%add3A_11] : memref<196608xi32, #tpu.memory_space<hbm>> -> memref<1024xi32, #tpu.memory_space<hbm>>
        tpu.wait_dma2 semaphore(%run_scoped3A : memref<!tpu.dma_semaphore, #tpu.memory_space<semaphore_mem>>) src(%dma_wait3A_141 : memref<1024xi32, #tpu.memory_space<hbm>>) dst(%arg5 : memref<1024xi32, #tpu.memory_space<vmem>>)
        tpu.yield
      }) : () -> ()
      %dma_start3A = arith.constant 0 : i32
      %dma_start3A_12 = arith.constant 0 : i32
      %dma_start3A_13 = tpu.memref_slice %arg6[%dma_start3A, %dma_start3A_12] : memref<1024x64xf32, #tpu.memory_space<vmem>> -> memref<128x64xf32, #tpu.memory_space<vmem>>
      %dma_start3A_14 = arith.constant 0 : i32
      %dma_start3A_15 = tpu.memref_slice %arg5[%dma_start3A_14] : memref<1024xi32, #tpu.memory_space<vmem>> -> memref<128xi32, #tpu.memory_space<vmem>>
      %dma_start3A_16 = arith.constant 0 : i32
      %dma_start3A_17 = arith.constant 0 : i32
      %dma_start3A_18 = tpu.memref_slice %arg3[%dma_start3A_16, %dma_start3A_17] : memref<16384x64xf32, #tpu.memory_space<hbm>> -> memref<16384x64xf32, #tpu.memory_space<hbm>>
      tpu.enqueue_indirect_dma source(%dma_start3A_18 : memref<16384x64xf32, #tpu.memory_space<hbm>>) target(%dma_start3A_13 : memref<128x64xf32, #tpu.memory_space<vmem>>) offsets(%dma_start3A_15 : memref<128xi32, #tpu.memory_space<vmem>>) semaphore(%arg7 : memref<!tpu.dma_semaphore, #tpu.memory_space<semaphore_mem>>)
      %dma_start3A_19 = arith.constant 128 : i32
      %dma_start3A_20 = arith.constant 0 : i32
      %dma_start3A_21 = tpu.memref_slice %arg6[%dma_start3A_19, %dma_start3A_20] : memref<1024x64xf32, #tpu.memory_space<vmem>> -> memref<128x64xf32, #tpu.memory_space<vmem>>
      %dma_start3A_22 = arith.constant 128 : i32
      %dma_start3A_23 = tpu.memref_slice %arg5[%dma_start3A_22] : memref<1024xi32, #tpu.memory_space<vmem>> -> memref<128xi32, #tpu.memory_space<vmem>>
      %dma_start3A_24 = arith.constant 0 : i32
      %dma_start3A_25 = arith.constant 0 : i32
      %dma_start3A_26 = tpu.memref_slice %arg3[%dma_start3A_24, %dma_start3A_25] : memref<16384x64xf32, #tpu.memory_space<hbm>> -> memref<16384x64xf32, #tpu.memory_space<hbm>>
      tpu.enqueue_indirect_dma source(%dma_start3A_26 : memref<16384x64xf32, #tpu.memory_space<hbm>>) target(%dma_start3A_21 : memref<128x64xf32, #tpu.memory_space<vmem>>) offsets(%dma_start3A_23 : memref<128xi32, #tpu.memory_space<vmem>>) semaphore(%arg7 : memref<!tpu.dma_semaphore, #tpu.memory_space<semaphore_mem>>)
      %dma_start3A_27 = arith.constant 256 : i32
      %dma_start3A_28 = arith.constant 0 : i32
      %dma_start3A_29 = tpu.memref_slice %arg6[%dma_start3A_27, %dma_start3A_28] : memref<1024x64xf32, #tpu.memory_space<vmem>> -> memref<128x64xf32, #tpu.memory_space<vmem>>
      %dma_start3A_30 = arith.constant 256 : i32
      %dma_start3A_31 = tpu.memref_slice %arg5[%dma_start3A_30] : memref<1024xi32, #tpu.memory_space<vmem>> -> memref<128xi32, #tpu.memory_space<vmem>>
      %dma_start3A_32 = arith.constant 0 : i32
      %dma_start3A_33 = arith.constant 0 : i32
      %dma_start3A_34 = tpu.memref_slice %arg3[%dma_start3A_32, %dma_start3A_33] : memref<16384x64xf32, #tpu.memory_space<hbm>> -> memref<16384x64xf32, #tpu.memory_space<hbm>>
      tpu.enqueue_indirect_dma source(%dma_start3A_34 : memref<16384x64xf32, #tpu.memory_space<hbm>>) target(%dma_start3A_29 : memref<128x64xf32, #tpu.memory_space<vmem>>) offsets(%dma_start3A_31 : memref<128xi32, #tpu.memory_space<vmem>>) semaphore(%arg7 : memref<!tpu.dma_semaphore, #tpu.memory_space<semaphore_mem>>)
      %dma_start3A_35 = arith.constant 384 : i32
      %dma_start3A_36 = arith.constant 0 : i32
      %dma_start3A_37 = tpu.memref_slice %arg6[%dma_start3A_35, %dma_start3A_36] : memref<1024x64xf32, #tpu.memory_space<vmem>> -> memref<128x64xf32, #tpu.memory_space<vmem>>
      %dma_start3A_38 = arith.constant 384 : i32
      %dma_start3A_39 = tpu.memref_slice %arg5[%dma_start3A_38] : memref<1024xi32, #tpu.memory_space<vmem>> -> memref<128xi32, #tpu.memory_space<vmem>>
      %dma_start3A_40 = arith.constant 0 : i32
      %dma_start3A_41 = arith.constant 0 : i32
      %dma_start3A_42 = tpu.memref_slice %arg3[%dma_start3A_40, %dma_start3A_41] : memref<16384x64xf32, #tpu.memory_space<hbm>> -> memref<16384x64xf32, #tpu.memory_space<hbm>>
      tpu.enqueue_indirect_dma source(%dma_start3A_42 : memref<16384x64xf32, #tpu.memory_space<hbm>>) target(%dma_start3A_37 : memref<128x64xf32, #tpu.memory_space<vmem>>) offsets(%dma_start3A_39 : memref<128xi32, #tpu.memory_space<vmem>>) semaphore(%arg7 : memref<!tpu.dma_semaphore, #tpu.memory_space<semaphore_mem>>)
      %dma_start3A_43 = arith.constant 512 : i32
      %dma_start3A_44 = arith.constant 0 : i32
      %dma_start3A_45 = tpu.memref_slice %arg6[%dma_start3A_43, %dma_start3A_44] : memref<1024x64xf32, #tpu.memory_space<vmem>> -> memref<128x64xf32, #tpu.memory_space<vmem>>
      %dma_start3A_46 = arith.constant 512 : i32
      %dma_start3A_47 = tpu.memref_slice %arg5[%dma_start3A_46] : memref<1024xi32, #tpu.memory_space<vmem>> -> memref<128xi32, #tpu.memory_space<vmem>>
      %dma_start3A_48 = arith.constant 0 : i32
      %dma_start3A_49 = arith.constant 0 : i32
      %dma_start3A_50 = tpu.memref_slice %arg3[%dma_start3A_48, %dma_start3A_49] : memref<16384x64xf32, #tpu.memory_space<hbm>> -> memref<16384x64xf32, #tpu.memory_space<hbm>>
      tpu.enqueue_indirect_dma source(%dma_start3A_50 : memref<16384x64xf32, #tpu.memory_space<hbm>>) target(%dma_start3A_45 : memref<128x64xf32, #tpu.memory_space<vmem>>) offsets(%dma_start3A_47 : memref<128xi32, #tpu.memory_space<vmem>>) semaphore(%arg7 : memref<!tpu.dma_semaphore, #tpu.memory_space<semaphore_mem>>)
      %dma_start3A_51 = arith.constant 640 : i32
      %dma_start3A_52 = arith.constant 0 : i32
      %dma_start3A_53 = tpu.memref_slice %arg6[%dma_start3A_51, %dma_start3A_52] : memref<1024x64xf32, #tpu.memory_space<vmem>> -> memref<128x64xf32, #tpu.memory_space<vmem>>
      %dma_start3A_54 = arith.constant 640 : i32
      %dma_start3A_55 = tpu.memref_slice %arg5[%dma_start3A_54] : memref<1024xi32, #tpu.memory_space<vmem>> -> memref<128xi32, #tpu.memory_space<vmem>>
      %dma_start3A_56 = arith.constant 0 : i32
      %dma_start3A_57 = arith.constant 0 : i32
      %dma_start3A_58 = tpu.memref_slice %arg3[%dma_start3A_56, %dma_start3A_57] : memref<16384x64xf32, #tpu.memory_space<hbm>> -> memref<16384x64xf32, #tpu.memory_space<hbm>>
      tpu.enqueue_indirect_dma source(%dma_start3A_58 : memref<16384x64xf32, #tpu.memory_space<hbm>>) target(%dma_start3A_53 : memref<128x64xf32, #tpu.memory_space<vmem>>) offsets(%dma_start3A_55 : memref<128xi32, #tpu.memory_space<vmem>>) semaphore(%arg7 : memref<!tpu.dma_semaphore, #tpu.memory_space<semaphore_mem>>)
      %dma_start3A_59 = arith.constant 768 : i32
      %dma_start3A_60 = arith.constant 0 : i32
      %dma_start3A_61 = tpu.memref_slice %arg6[%dma_start3A_59, %dma_start3A_60] : memref<1024x64xf32, #tpu.memory_space<vmem>> -> memref<128x64xf32, #tpu.memory_space<vmem>>
      %dma_start3A_62 = arith.constant 768 : i32
      %dma_start3A_63 = tpu.memref_slice %arg5[%dma_start3A_62] : memref<1024xi32, #tpu.memory_space<vmem>> -> memref<128xi32, #tpu.memory_space<vmem>>
      %dma_start3A_64 = arith.constant 0 : i32
      %dma_start3A_65 = arith.constant 0 : i32
      %dma_start3A_66 = tpu.memref_slice %arg3[%dma_start3A_64, %dma_start3A_65] : memref<16384x64xf32, #tpu.memory_space<hbm>> -> memref<16384x64xf32, #tpu.memory_space<hbm>>
      tpu.enqueue_indirect_dma source(%dma_start3A_66 : memref<16384x64xf32, #tpu.memory_space<hbm>>) target(%dma_start3A_61 : memref<128x64xf32, #tpu.memory_space<vmem>>) offsets(%dma_start3A_63 : memref<128xi32, #tpu.memory_space<vmem>>) semaphore(%arg7 : memref<!tpu.dma_semaphore, #tpu.memory_space<semaphore_mem>>)
      %dma_start3A_67 = arith.constant 896 : i32
      %dma_start3A_68 = arith.constant 0 : i32
      %dma_start3A_69 = tpu.memref_slice %arg6[%dma_start3A_67, %dma_start3A_68] : memref<1024x64xf32, #tpu.memory_space<vmem>> -> memref<128x64xf32, #tpu.memory_space<vmem>>
      %dma_start3A_70 = arith.constant 896 : i32
      %dma_start3A_71 = tpu.memref_slice %arg5[%dma_start3A_70] : memref<1024xi32, #tpu.memory_space<vmem>> -> memref<128xi32, #tpu.memory_space<vmem>>
      %dma_start3A_72 = arith.constant 0 : i32
      %dma_start3A_73 = arith.constant 0 : i32
      %dma_start3A_74 = tpu.memref_slice %arg3[%dma_start3A_72, %dma_start3A_73] : memref<16384x64xf32, #tpu.memory_space<hbm>> -> memref<16384x64xf32, #tpu.memory_space<hbm>>
      tpu.enqueue_indirect_dma source(%dma_start3A_74 : memref<16384x64xf32, #tpu.memory_space<hbm>>) target(%dma_start3A_69 : memref<128x64xf32, #tpu.memory_space<vmem>>) offsets(%dma_start3A_71 : memref<128xi32, #tpu.memory_space<vmem>>) semaphore(%arg7 : memref<!tpu.dma_semaphore, #tpu.memory_space<semaphore_mem>>)
      %dma_wait3A = arith.constant 0 : i32
      %dma_wait3A_75 = arith.constant 0 : i32
      %dma_wait3A_76 = tpu.memref_slice %arg6[%dma_wait3A, %dma_wait3A_75] : memref<1024x64xf32, #tpu.memory_space<vmem>> -> memref<128x64xf32, #tpu.memory_space<vmem>>
      %dma_wait3A_77 = arith.constant 0 : i32
      %dma_wait3A_78 = tpu.memref_slice %arg5[%dma_wait3A_77] : memref<1024xi32, #tpu.memory_space<vmem>> -> memref<128xi32, #tpu.memory_space<vmem>>
      %dma_wait3A_79 = arith.constant 0 : i32
      %dma_wait3A_80 = arith.constant 0 : i32
      %dma_wait3A_81 = tpu.memref_slice %arg3[%dma_wait3A_79, %dma_wait3A_80] : memref<16384x64xf32, #tpu.memory_space<hbm>> -> memref<16384x64xf32, #tpu.memory_space<hbm>>
      tpu.wait_indirect_dma semaphore(%arg7 : memref<!tpu.dma_semaphore, #tpu.memory_space<semaphore_mem>>) src(%dma_wait3A_81 : memref<16384x64xf32, #tpu.memory_space<hbm>>) dst(%dma_wait3A_76 : memref<128x64xf32, #tpu.memory_space<vmem>>)
      %dma_wait3A_82 = arith.constant 128 : i32
      %dma_wait3A_83 = arith.constant 0 : i32
      %dma_wait3A_84 = tpu.memref_slice %arg6[%dma_wait3A_82, %dma_wait3A_83] : memref<1024x64xf32, #tpu.memory_space<vmem>> -> memref<128x64xf32, #tpu.memory_space<vmem>>
      %dma_wait3A_85 = arith.constant 128 : i32
      %dma_wait3A_86 = tpu.memref_slice %arg5[%dma_wait3A_85] : memref<1024xi32, #tpu.memory_space<vmem>> -> memref<128xi32, #tpu.memory_space<vmem>>
      %dma_wait3A_87 = arith.constant 0 : i32
      %dma_wait3A_88 = arith.constant 0 : i32
      %dma_wait3A_89 = tpu.memref_slice %arg3[%dma_wait3A_87, %dma_wait3A_88] : memref<16384x64xf32, #tpu.memory_space<hbm>> -> memref<16384x64xf32, #tpu.memory_space<hbm>>
      tpu.wait_indirect_dma semaphore(%arg7 : memref<!tpu.dma_semaphore, #tpu.memory_space<semaphore_mem>>) src(%dma_wait3A_89 : memref<16384x64xf32, #tpu.memory_space<hbm>>) dst(%dma_wait3A_84 : memref<128x64xf32, #tpu.memory_space<vmem>>)
      %dma_wait3A_90 = arith.constant 256 : i32
      %dma_wait3A_91 = arith.constant 0 : i32
      %dma_wait3A_92 = tpu.memref_slice %arg6[%dma_wait3A_90, %dma_wait3A_91] : memref<1024x64xf32, #tpu.memory_space<vmem>> -> memref<128x64xf32, #tpu.memory_space<vmem>>
      %dma_wait3A_93 = arith.constant 256 : i32
      %dma_wait3A_94 = tpu.memref_slice %arg5[%dma_wait3A_93] : memref<1024xi32, #tpu.memory_space<vmem>> -> memref<128xi32, #tpu.memory_space<vmem>>
      %dma_wait3A_95 = arith.constant 0 : i32
      %dma_wait3A_96 = arith.constant 0 : i32
      %dma_wait3A_97 = tpu.memref_slice %arg3[%dma_wait3A_95, %dma_wait3A_96] : memref<16384x64xf32, #tpu.memory_space<hbm>> -> memref<16384x64xf32, #tpu.memory_space<hbm>>
      tpu.wait_indirect_dma semaphore(%arg7 : memref<!tpu.dma_semaphore, #tpu.memory_space<semaphore_mem>>) src(%dma_wait3A_97 : memref<16384x64xf32, #tpu.memory_space<hbm>>) dst(%dma_wait3A_92 : memref<128x64xf32, #tpu.memory_space<vmem>>)
      %dma_wait3A_98 = arith.constant 384 : i32
      %dma_wait3A_99 = arith.constant 0 : i32
      %dma_wait3A_100 = tpu.memref_slice %arg6[%dma_wait3A_98, %dma_wait3A_99] : memref<1024x64xf32, #tpu.memory_space<vmem>> -> memref<128x64xf32, #tpu.memory_space<vmem>>
      %dma_wait3A_101 = arith.constant 384 : i32
      %dma_wait3A_102 = tpu.memref_slice %arg5[%dma_wait3A_101] : memref<1024xi32, #tpu.memory_space<vmem>> -> memref<128xi32, #tpu.memory_space<vmem>>
      %dma_wait3A_103 = arith.constant 0 : i32
      %dma_wait3A_104 = arith.constant 0 : i32
      %dma_wait3A_105 = tpu.memref_slice %arg3[%dma_wait3A_103, %dma_wait3A_104] : memref<16384x64xf32, #tpu.memory_space<hbm>> -> memref<16384x64xf32, #tpu.memory_space<hbm>>
      tpu.wait_indirect_dma semaphore(%arg7 : memref<!tpu.dma_semaphore, #tpu.memory_space<semaphore_mem>>) src(%dma_wait3A_105 : memref<16384x64xf32, #tpu.memory_space<hbm>>) dst(%dma_wait3A_100 : memref<128x64xf32, #tpu.memory_space<vmem>>)
      %dma_wait3A_106 = arith.constant 512 : i32
      %dma_wait3A_107 = arith.constant 0 : i32
      %dma_wait3A_108 = tpu.memref_slice %arg6[%dma_wait3A_106, %dma_wait3A_107] : memref<1024x64xf32, #tpu.memory_space<vmem>> -> memref<128x64xf32, #tpu.memory_space<vmem>>
      %dma_wait3A_109 = arith.constant 512 : i32
      %dma_wait3A_110 = tpu.memref_slice %arg5[%dma_wait3A_109] : memref<1024xi32, #tpu.memory_space<vmem>> -> memref<128xi32, #tpu.memory_space<vmem>>
      %dma_wait3A_111 = arith.constant 0 : i32
      %dma_wait3A_112 = arith.constant 0 : i32
      %dma_wait3A_113 = tpu.memref_slice %arg3[%dma_wait3A_111, %dma_wait3A_112] : memref<16384x64xf32, #tpu.memory_space<hbm>> -> memref<16384x64xf32, #tpu.memory_space<hbm>>
      tpu.wait_indirect_dma semaphore(%arg7 : memref<!tpu.dma_semaphore, #tpu.memory_space<semaphore_mem>>) src(%dma_wait3A_113 : memref<16384x64xf32, #tpu.memory_space<hbm>>) dst(%dma_wait3A_108 : memref<128x64xf32, #tpu.memory_space<vmem>>)
      %dma_wait3A_114 = arith.constant 640 : i32
      %dma_wait3A_115 = arith.constant 0 : i32
      %dma_wait3A_116 = tpu.memref_slice %arg6[%dma_wait3A_114, %dma_wait3A_115] : memref<1024x64xf32, #tpu.memory_space<vmem>> -> memref<128x64xf32, #tpu.memory_space<vmem>>
      %dma_wait3A_117 = arith.constant 640 : i32
      %dma_wait3A_118 = tpu.memref_slice %arg5[%dma_wait3A_117] : memref<1024xi32, #tpu.memory_space<vmem>> -> memref<128xi32, #tpu.memory_space<vmem>>
      %dma_wait3A_119 = arith.constant 0 : i32
      %dma_wait3A_120 = arith.constant 0 : i32
      %dma_wait3A_121 = tpu.memref_slice %arg3[%dma_wait3A_119, %dma_wait3A_120] : memref<16384x64xf32, #tpu.memory_space<hbm>> -> memref<16384x64xf32, #tpu.memory_space<hbm>>
      tpu.wait_indirect_dma semaphore(%arg7 : memref<!tpu.dma_semaphore, #tpu.memory_space<semaphore_mem>>) src(%dma_wait3A_121 : memref<16384x64xf32, #tpu.memory_space<hbm>>) dst(%dma_wait3A_116 : memref<128x64xf32, #tpu.memory_space<vmem>>)
      %dma_wait3A_122 = arith.constant 768 : i32
      %dma_wait3A_123 = arith.constant 0 : i32
      %dma_wait3A_124 = tpu.memref_slice %arg6[%dma_wait3A_122, %dma_wait3A_123] : memref<1024x64xf32, #tpu.memory_space<vmem>> -> memref<128x64xf32, #tpu.memory_space<vmem>>
      %dma_wait3A_125 = arith.constant 768 : i32
      %dma_wait3A_126 = tpu.memref_slice %arg5[%dma_wait3A_125] : memref<1024xi32, #tpu.memory_space<vmem>> -> memref<128xi32, #tpu.memory_space<vmem>>
      %dma_wait3A_127 = arith.constant 0 : i32
      %dma_wait3A_128 = arith.constant 0 : i32
      %dma_wait3A_129 = tpu.memref_slice %arg3[%dma_wait3A_127, %dma_wait3A_128] : memref<16384x64xf32, #tpu.memory_space<hbm>> -> memref<16384x64xf32, #tpu.memory_space<hbm>>
      tpu.wait_indirect_dma semaphore(%arg7 : memref<!tpu.dma_semaphore, #tpu.memory_space<semaphore_mem>>) src(%dma_wait3A_129 : memref<16384x64xf32, #tpu.memory_space<hbm>>) dst(%dma_wait3A_124 : memref<128x64xf32, #tpu.memory_space<vmem>>)
      %dma_wait3A_130 = arith.constant 896 : i32
      %dma_wait3A_131 = arith.constant 0 : i32
      %dma_wait3A_132 = tpu.memref_slice %arg6[%dma_wait3A_130, %dma_wait3A_131] : memref<1024x64xf32, #tpu.memory_space<vmem>> -> memref<128x64xf32, #tpu.memory_space<vmem>>
      %dma_wait3A_133 = arith.constant 896 : i32
      %dma_wait3A_134 = tpu.memref_slice %arg5[%dma_wait3A_133] : memref<1024xi32, #tpu.memory_space<vmem>> -> memref<128xi32, #tpu.memory_space<vmem>>
      %dma_wait3A_135 = arith.constant 0 : i32
      %dma_wait3A_136 = arith.constant 0 : i32
      %dma_wait3A_137 = tpu.memref_slice %arg3[%dma_wait3A_135, %dma_wait3A_136] : memref<16384x64xf32, #tpu.memory_space<hbm>> -> memref<16384x64xf32, #tpu.memory_space<hbm>>
      tpu.wait_indirect_dma semaphore(%arg7 : memref<!tpu.dma_semaphore, #tpu.memory_space<semaphore_mem>>) src(%dma_wait3A_137 : memref<16384x64xf32, #tpu.memory_space<hbm>>) dst(%dma_wait3A_132 : memref<128x64xf32, #tpu.memory_space<vmem>>)
      "tpu.region"() ({
        %run_scoped3A = tpu.sem_alloc : memref<!tpu.dma_semaphore, #tpu.memory_space<semaphore_mem>>
        %dma_start3A_138 = arith.constant 0 : i32
        %dma_start3A_139 = tpu.memref_slice %arg4[%add3A_11, %dma_start3A_138] : memref<196608x64xf32, #tpu.memory_space<hbm>> -> memref<1024x64xf32, #tpu.memory_space<hbm>>
        %dma_start3A_140 = arith.constant 0 : i32
        %dma_start3A_141 = tpu.memref_slice %arg4[%add3A_11, %dma_start3A_140] : memref<196608x64xf32, #tpu.memory_space<hbm>> -> memref<1024x64xf32, #tpu.memory_space<hbm>>
        tpu.enqueue_dma source(%arg6 : memref<1024x64xf32, #tpu.memory_space<vmem>>) target(%dma_start3A_141 : memref<1024x64xf32, #tpu.memory_space<hbm>>) target_semaphore(%run_scoped3A : memref<!tpu.dma_semaphore, #tpu.memory_space<semaphore_mem>>)
        %dma_wait3A_142 = arith.constant 0 : i32
        %dma_wait3A_143 = tpu.memref_slice %arg4[%add3A_11, %dma_wait3A_142] : memref<196608x64xf32, #tpu.memory_space<hbm>> -> memref<1024x64xf32, #tpu.memory_space<hbm>>
        %dma_wait3A_144 = arith.constant 0 : i32
        %dma_wait3A_145 = tpu.memref_slice %arg4[%add3A_11, %dma_wait3A_144] : memref<196608x64xf32, #tpu.memory_space<hbm>> -> memref<1024x64xf32, #tpu.memory_space<hbm>>
        tpu.wait_dma2 semaphore(%run_scoped3A : memref<!tpu.dma_semaphore, #tpu.memory_space<semaphore_mem>>) src(%arg6 : memref<1024x64xf32, #tpu.memory_space<vmem>>) dst(%dma_wait3A_145 : memref<1024x64xf32, #tpu.memory_space<hbm>>)
        tpu.yield
      }) : () -> ()
    }
    %scan3A_7 = arith.constant 6 : i32
    return
  }
}

module attributes {stable_mosaic.version = 14 : i64} {
  func.func @_knn_body(%arg0: i32, %arg1: i32, %arg2: memref<1x2048x3xf32, #tpu.memory_space<vmem>>, %arg3: memref<1x3x2048xf32, #tpu.memory_space<vmem>>, %arg4: memref<1x3x2048xi32, #tpu.memory_space<vmem>>, %arg5: memref<1x2048x3xf32, #tpu.memory_space<vmem>>) attributes {dimension_semantics = [#tpu.dimension_semantics<arbitrary>, #tpu.dimension_semantics<arbitrary>], iteration_bounds = array<i64: 8, 4>, scalar_prefetch = 0 : i64, scratch_operands = 0 : i64, tpu.core_type = #tpu.core_type<tc>, window_params = [{transform_indices = @transform_0, window_bounds = array<i64: 1, 2048, 3>}, {transform_indices = @transform_1, window_bounds = array<i64: 1, 3, 2048>}, {transform_indices = @transform_2, window_bounds = array<i64: 1, 3, 2048>}, {transform_indices = @transform_3, window_bounds = array<i64: 1, 2048, 3>}]} {
    %get3A = arith.constant 0 : index
    %get3A_0 = arith.constant 0 : index
    %get3A_1 = arith.constant 0 : index
    %get3A_2 = vector.load %arg2[%get3A, %get3A_0, %get3A_1] : memref<1x2048x3xf32, #tpu.memory_space<vmem>>, vector<1x2048x3xf32>
    %get3A_3 = vector.shape_cast %get3A_2 : vector<1x2048x3xf32> to vector<2048x3xf32>
    %get3A_4 = arith.constant 0 : index
    %get3A_5 = arith.constant 0 : index
    %get3A_6 = arith.constant 0 : index
    %get3A_7 = vector.load %arg3[%get3A_4, %get3A_5, %get3A_6] : memref<1x3x2048xf32, #tpu.memory_space<vmem>>, vector<1x3x2048xf32>
    %get3A_8 = vector.shape_cast %get3A_7 : vector<1x3x2048xf32> to vector<3x2048xf32>
    %dot_general3A = arith.constant dense<0.000000e+00> : vector<2048x2048xf32>
    %dot_general3A_9 = tpu.matmul %get3A_3, %get3A_8, %dot_general3A {dimension_numbers = #tpu.dot_dimension_numbers<[1], [0], [0], [1], [0, 0, 1, 1], [], []>, transpose_lhs_hint = false} : vector<2048x3xf32>, vector<3x2048xf32>, vector<2048x2048xf32> -> vector<2048x2048xf32>
    %mul3A = arith.mulf %get3A_3, %get3A_3 : vector<2048x3xf32>
    %reduce_sum3A = arith.constant dense<0.000000e+00> : vector<2048xf32>
    %reduce_sum3A_10 = vector.multi_reduction <add>, %mul3A, %reduce_sum3A [1] : vector<2048x3xf32> to vector<2048xf32>
    %broadcast_in_dim3A = vector.shape_cast %reduce_sum3A_10 : vector<2048xf32> to vector<2048x1xf32>
    %mul3A_11 = arith.mulf %get3A_8, %get3A_8 : vector<3x2048xf32>
    %reduce_sum3A_12 = arith.constant dense<0.000000e+00> : vector<2048xf32>
    %reduce_sum3A_13 = vector.multi_reduction <add>, %mul3A_11, %reduce_sum3A_12 [0] : vector<3x2048xf32> to vector<2048xf32>
    %broadcast_in_dim3A_14 = vector.shape_cast %reduce_sum3A_13 : vector<2048xf32> to vector<1x2048xf32>
    %add3A = vector.broadcast %broadcast_in_dim3A : vector<2048x1xf32> to vector<2048x2048xf32>
    %add3A_15 = vector.broadcast %broadcast_in_dim3A_14 : vector<1x2048xf32> to vector<2048x2048xf32>
    %add3A_16 = arith.addf %add3A, %add3A_15 : vector<2048x2048xf32>
    %mul3A_17 = arith.constant 2.000000e+00 : f32
    %mul3A_18 = vector.broadcast %mul3A_17 : f32 to vector<2048x2048xf32>
    %mul3A_19 = arith.mulf %mul3A_18, %dot_general3A_9 : vector<2048x2048xf32>
    %sub3A = arith.subf %add3A_16, %mul3A_19 : vector<2048x2048xf32>
    %iota3A = tpu.iota {dimensions = array<i32: 1>} : vector<2048x2048xi32>
    %convert_element_type3A = arith.sitofp %iota3A : vector<2048x2048xi32> to vector<2048x2048xf32>
    %reduce_min3A = arith.constant dense<0x7F800000> : vector<2048xf32>
    %reduce_min3A_20 = vector.multi_reduction <minimumf>, %sub3A, %reduce_min3A [1] : vector<2048x2048xf32> to vector<2048xf32>
    %broadcast_in_dim3A_21 = vector.shape_cast %reduce_min3A_20 : vector<2048xf32> to vector<2048x1xf32>
    %eq3A = vector.broadcast %broadcast_in_dim3A_21 : vector<2048x1xf32> to vector<2048x2048xf32>
    %eq3A_22 = arith.cmpf oeq, %sub3A, %eq3A : vector<2048x2048xf32>
    %jit3A = arith.constant 2.048000e+03 : f32
    %broadcast_in_dim3A_23 = vector.broadcast %jit3A : f32 to vector<2048x2048xf32>
    %select_n3A = arith.select %eq3A_22, %convert_element_type3A, %broadcast_in_dim3A_23 : vector<2048x2048xi1>, vector<2048x2048xf32>
    %reduce_min3A_24 = arith.constant dense<0x7F800000> : vector<2048xf32>
    %reduce_min3A_25 = vector.multi_reduction <minimumf>, %select_n3A, %reduce_min3A_24 [1] : vector<2048x2048xf32> to vector<2048xf32>
    %broadcast_in_dim3A_26 = vector.shape_cast %reduce_min3A_25 : vector<2048xf32> to vector<2048x1xf32>
    %eq3A_27 = vector.broadcast %broadcast_in_dim3A_26 : vector<2048x1xf32> to vector<2048x2048xf32>
    %eq3A_28 = arith.cmpf oeq, %convert_element_type3A, %eq3A_27 : vector<2048x2048xf32>
    %jit3A_29 = arith.constant 0x7F800000 : f32
    %broadcast_in_dim3A_30 = vector.broadcast %jit3A_29 : f32 to vector<2048x2048xf32>
    %select_n3A_31 = arith.select %eq3A_28, %broadcast_in_dim3A_30, %sub3A : vector<2048x2048xi1>, vector<2048x2048xf32>
    %reduce_min3A_32 = arith.constant dense<0x7F800000> : vector<2048xf32>
    %reduce_min3A_33 = vector.multi_reduction <minimumf>, %select_n3A_31, %reduce_min3A_32 [1] : vector<2048x2048xf32> to vector<2048xf32>
    %broadcast_in_dim3A_34 = vector.shape_cast %reduce_min3A_33 : vector<2048xf32> to vector<2048x1xf32>
    %eq3A_35 = vector.broadcast %broadcast_in_dim3A_34 : vector<2048x1xf32> to vector<2048x2048xf32>
    %eq3A_36 = arith.cmpf oeq, %select_n3A_31, %eq3A_35 : vector<2048x2048xf32>
    %jit3A_37 = arith.constant 2.048000e+03 : f32
    %broadcast_in_dim3A_38 = vector.broadcast %jit3A_37 : f32 to vector<2048x2048xf32>
    %select_n3A_39 = arith.select %eq3A_36, %convert_element_type3A, %broadcast_in_dim3A_38 : vector<2048x2048xi1>, vector<2048x2048xf32>
    %reduce_min3A_40 = arith.constant dense<0x7F800000> : vector<2048xf32>
    %reduce_min3A_41 = vector.multi_reduction <minimumf>, %select_n3A_39, %reduce_min3A_40 [1] : vector<2048x2048xf32> to vector<2048xf32>
    %broadcast_in_dim3A_42 = vector.shape_cast %reduce_min3A_41 : vector<2048xf32> to vector<2048x1xf32>
    %eq3A_43 = vector.broadcast %broadcast_in_dim3A_42 : vector<2048x1xf32> to vector<2048x2048xf32>
    %eq3A_44 = arith.cmpf oeq, %convert_element_type3A, %eq3A_43 : vector<2048x2048xf32>
    %jit3A_45 = arith.constant 0x7F800000 : f32
    %broadcast_in_dim3A_46 = vector.broadcast %jit3A_45 : f32 to vector<2048x2048xf32>
    %select_n3A_47 = arith.select %eq3A_44, %broadcast_in_dim3A_46, %select_n3A_31 : vector<2048x2048xi1>, vector<2048x2048xf32>
    %reduce_min3A_48 = arith.constant dense<0x7F800000> : vector<2048xf32>
    %reduce_min3A_49 = vector.multi_reduction <minimumf>, %select_n3A_47, %reduce_min3A_48 [1] : vector<2048x2048xf32> to vector<2048xf32>
    %broadcast_in_dim3A_50 = vector.shape_cast %reduce_min3A_49 : vector<2048xf32> to vector<2048x1xf32>
    %eq3A_51 = vector.broadcast %broadcast_in_dim3A_50 : vector<2048x1xf32> to vector<2048x2048xf32>
    %eq3A_52 = arith.cmpf oeq, %select_n3A_47, %eq3A_51 : vector<2048x2048xf32>
    %jit3A_53 = arith.constant 2.048000e+03 : f32
    %broadcast_in_dim3A_54 = vector.broadcast %jit3A_53 : f32 to vector<2048x2048xf32>
    %select_n3A_55 = arith.select %eq3A_52, %convert_element_type3A, %broadcast_in_dim3A_54 : vector<2048x2048xi1>, vector<2048x2048xf32>
    %reduce_min3A_56 = arith.constant dense<0x7F800000> : vector<2048xf32>
    %reduce_min3A_57 = vector.multi_reduction <minimumf>, %select_n3A_55, %reduce_min3A_56 [1] : vector<2048x2048xf32> to vector<2048xf32>
    %broadcast_in_dim3A_58 = vector.shape_cast %reduce_min3A_57 : vector<2048xf32> to vector<2048x1xf32>
    %jit3A_59 = arith.constant 0.000000e+00 : f32
    %jit3A_60 = arith.constant 1.000000e-10 : f32
    %max3A = vector.broadcast %jit3A_59 : f32 to vector<2048x1xf32>
    %max3A_61 = arith.maximumf %max3A, %broadcast_in_dim3A_21 : vector<2048x1xf32>
    %min3A = vector.broadcast %jit3A_60 : f32 to vector<2048x1xf32>
    %min3A_62 = arith.minimumf %min3A, %max3A_61 : vector<2048x1xf32>
    %div3A = arith.constant 1.000000e+00 : f32
    %div3A_63 = vector.broadcast %div3A : f32 to vector<2048x1xf32>
    %div3A_64 = arith.divf %div3A_63, %min3A_62 : vector<2048x1xf32>
    %jit3A_65 = arith.constant 0.000000e+00 : f32
    %jit3A_66 = arith.constant 1.000000e-10 : f32
    %max3A_67 = vector.broadcast %jit3A_65 : f32 to vector<2048x1xf32>
    %max3A_68 = arith.maximumf %max3A_67, %broadcast_in_dim3A_34 : vector<2048x1xf32>
    %min3A_69 = vector.broadcast %jit3A_66 : f32 to vector<2048x1xf32>
    %min3A_70 = arith.minimumf %min3A_69, %max3A_68 : vector<2048x1xf32>
    %div3A_71 = arith.constant 1.000000e+00 : f32
    %div3A_72 = vector.broadcast %div3A_71 : f32 to vector<2048x1xf32>
    %div3A_73 = arith.divf %div3A_72, %min3A_70 : vector<2048x1xf32>
    %jit3A_74 = arith.constant 0.000000e+00 : f32
    %jit3A_75 = arith.constant 1.000000e-10 : f32
    %max3A_76 = vector.broadcast %jit3A_74 : f32 to vector<2048x1xf32>
    %max3A_77 = arith.maximumf %max3A_76, %broadcast_in_dim3A_50 : vector<2048x1xf32>
    %min3A_78 = vector.broadcast %jit3A_75 : f32 to vector<2048x1xf32>
    %min3A_79 = arith.minimumf %min3A_78, %max3A_77 : vector<2048x1xf32>
    %div3A_80 = arith.constant 1.000000e+00 : f32
    %div3A_81 = vector.broadcast %div3A_80 : f32 to vector<2048x1xf32>
    %div3A_82 = arith.divf %div3A_81, %min3A_79 : vector<2048x1xf32>
    %add3A_83 = arith.addf %div3A_64, %div3A_73 : vector<2048x1xf32>
    %add3A_84 = arith.addf %add3A_83, %div3A_82 : vector<2048x1xf32>
    %div3A_85 = arith.divf %div3A_64, %add3A_84 : vector<2048x1xf32>
    %div3A_86 = arith.divf %div3A_73, %add3A_84 : vector<2048x1xf32>
    %div3A_87 = arith.divf %div3A_82, %add3A_84 : vector<2048x1xf32>
    %concatenate3A = tpu.concatenate %div3A_85, %div3A_86, %div3A_87 in 1 : vector<2048x1xf32>, vector<2048x1xf32>, vector<2048x1xf32> -> vector<2048x3xf32>
    %swap3A = arith.constant 0 : index
    %swap3A_88 = arith.constant 0 : index
    %swap3A_89 = arith.constant 0 : index
    %swap3A_90 = vector.load %arg5[%swap3A, %swap3A_88, %swap3A_89] : memref<1x2048x3xf32, #tpu.memory_space<vmem>>, vector<1x2048x3xf32>
    %swap3A_91 = vector.shape_cast %swap3A_90 : vector<1x2048x3xf32> to vector<2048x3xf32>
    %swap3A_92 = vector.shape_cast %concatenate3A : vector<2048x3xf32> to vector<1x2048x3xf32>
    tpu.vector_store %arg5[%swap3A, %swap3A_88, %swap3A_89], %swap3A_92 {strides = array<i32>} : memref<1x2048x3xf32, #tpu.memory_space<vmem>>, vector<1x2048x3xf32>,
    %mul3A_93 = arith.constant 2048 : i32
    %mul3A_94 = arith.muli %arg0, %mul3A_93 : i32
    %convert_element_type3A_95 = arith.sitofp %mul3A_94 : i32 to f32
    %add3A_96 = vector.broadcast %convert_element_type3A_95 : f32 to vector<2048x1xf32>
    %add3A_97 = arith.addf %broadcast_in_dim3A_26, %add3A_96 : vector<2048x1xf32>
    %convert_element_type3A_98 = arith.fptosi %add3A_97 : vector<2048x1xf32> to vector<2048x1xi32>
    %transpose3A = tpu.transpose %convert_element_type3A_98, [1, 0] : vector<2048x1xi32> -> vector<1x2048xi32>
    %add3A_99 = vector.broadcast %convert_element_type3A_95 : f32 to vector<2048x1xf32>
    %add3A_100 = arith.addf %broadcast_in_dim3A_42, %add3A_99 : vector<2048x1xf32>
    %convert_element_type3A_101 = arith.fptosi %add3A_100 : vector<2048x1xf32> to vector<2048x1xi32>
    %transpose3A_102 = tpu.transpose %convert_element_type3A_101, [1, 0] : vector<2048x1xi32> -> vector<1x2048xi32>
    %add3A_103 = vector.broadcast %convert_element_type3A_95 : f32 to vector<2048x1xf32>
    %add3A_104 = arith.addf %broadcast_in_dim3A_58, %add3A_103 : vector<2048x1xf32>
    %convert_element_type3A_105 = arith.fptosi %add3A_104 : vector<2048x1xf32> to vector<2048x1xi32>
    %transpose3A_106 = tpu.transpose %convert_element_type3A_105, [1, 0] : vector<2048x1xi32> -> vector<1x2048xi32>
    %concatenate3A_107 = tpu.concatenate %transpose3A, %transpose3A_102, %transpose3A_106 in 0 : vector<1x2048xi32>, vector<1x2048xi32>, vector<1x2048xi32> -> vector<3x2048xi32>
    %swap3A_108 = arith.constant 0 : index
    %swap3A_109 = arith.constant 0 : index
    %swap3A_110 = arith.constant 0 : index
    %swap3A_111 = vector.load %arg4[%swap3A_108, %swap3A_109, %swap3A_110] : memref<1x3x2048xi32, #tpu.memory_space<vmem>>, vector<1x3x2048xi32>
    %swap3A_112 = vector.shape_cast %swap3A_111 : vector<1x3x2048xi32> to vector<3x2048xi32>
    %swap3A_113 = vector.shape_cast %concatenate3A_107 : vector<3x2048xi32> to vector<1x3x2048xi32>
    tpu.vector_store %arg4[%swap3A_108, %swap3A_109, %swap3A_110], %swap3A_113 {strides = array<i32>} : memref<1x3x2048xi32, #tpu.memory_space<vmem>>, vector<1x3x2048xi32>,
    return
  }
  func.func @transform_0(%arg0: i32, %arg1: i32) -> (i32, i32, i32) {
    %c0_i32 = arith.constant 0 : i32
    %c0_i32_0 = arith.constant 0 : i32
    return %arg0, %arg1, %c0_i32 : i32, i32, i32
  }
  func.func @transform_1(%arg0: i32, %arg1: i32) -> (i32, i32, i32) {
    %c0_i32 = arith.constant 0 : i32
    %c0_i32_0 = arith.constant 0 : i32
    %c0_i32_1 = arith.constant 0 : i32
    return %arg0, %c0_i32, %c0_i32_0 : i32, i32, i32
  }
  func.func @transform_2(%arg0: i32, %arg1: i32) -> (i32, i32, i32) {
    %c0_i32 = arith.constant 0 : i32
    %c0_i32_0 = arith.constant 0 : i32
    return %arg0, %c0_i32, %arg1 : i32, i32, i32
  }
  func.func @transform_3(%arg0: i32, %arg1: i32) -> (i32, i32, i32) {
    %c0_i32 = arith.constant 0 : i32
    %c0_i32_0 = arith.constant 0 : i32
    return %arg0, %arg1, %c0_i32 : i32, i32, i32
  }
}

module attributes {stable_mosaic.version = 14 : i64} {
  func.func @_interp_mlp0_body(%arg0: i32, %arg1: i32, %arg2: memref<1x3x2048x64xf32, #tpu.memory_space<vmem>>, %arg3: memref<1x2048x3xf32, #tpu.memory_space<vmem>>, %arg4: memref<1x2048x64xf32, #tpu.memory_space<vmem>>, %arg5: memref<128x128xf32, #tpu.memory_space<vmem>>, %arg6: memref<1x128xf32, #tpu.memory_space<vmem>>, %arg7: memref<1x2048x128xf32, #tpu.memory_space<vmem>>, %arg8: memref<1x128xf32, #tpu.memory_space<vmem>>, %arg9: memref<1x128xf32, #tpu.memory_space<vmem>>) attributes {dimension_semantics = [#tpu.dimension_semantics<arbitrary>, #tpu.dimension_semantics<arbitrary>], iteration_bounds = array<i64: 8, 4>, scalar_prefetch = 0 : i64, scratch_operands = 0 : i64, tpu.core_type = #tpu.core_type<tc>, window_params = [{transform_indices = @transform_0, window_bounds = array<i64: 1, 3, 2048, 64>}, {transform_indices = @transform_1, window_bounds = array<i64: 1, 2048, 3>}, {transform_indices = @transform_2, window_bounds = array<i64: 1, 2048, 64>}, {pipeline_mode = #tpu.pipeline_mode<synchronous>, transform_indices = @transform_3, window_bounds = array<i64: 128, 128>}, {pipeline_mode = #tpu.pipeline_mode<synchronous>, transform_indices = @transform_4, window_bounds = array<i64: 1, 128>}, {transform_indices = @transform_5, window_bounds = array<i64: 1, 2048, 128>}, {pipeline_mode = #tpu.pipeline_mode<synchronous>, transform_indices = @transform_6, window_bounds = array<i64: 1, 128>}, {pipeline_mode = #tpu.pipeline_mode<synchronous>, transform_indices = @transform_7, window_bounds = array<i64: 1, 128>}]} {
    %get3A = arith.constant 0 : index
    %get3A_0 = arith.constant 0 : index
    %get3A_1 = arith.constant 0 : index
    %get3A_2 = vector.load %arg3[%get3A, %get3A_0, %get3A_1] : memref<1x2048x3xf32, #tpu.memory_space<vmem>>, vector<1x2048x3xf32>
    %get3A_3 = vector.shape_cast %get3A_2 : vector<1x2048x3xf32> to vector<2048x3xf32>
    %slice3A = vector.extract_strided_slice %get3A_3 {offsets = [0, 0], sizes = [2048, 1], strides = [1, 1]} : vector<2048x3xf32> to vector<2048x1xf32>
    %get3A_4 = arith.constant 0 : index
    %get3A_5 = arith.constant 0 : index
    %get3A_6 = arith.constant 0 : index
    %get3A_7 = arith.constant 0 : index
    %get3A_8 = vector.load %arg2[%get3A_4, %get3A_5, %get3A_6, %get3A_7] : memref<1x3x2048x64xf32, #tpu.memory_space<vmem>>, vector<1x1x2048x64xf32>
    %get3A_9 = vector.shape_cast %get3A_8 : vector<1x1x2048x64xf32> to vector<2048x64xf32>
    %mul3A = vector.broadcast %slice3A : vector<2048x1xf32> to vector<2048x64xf32>
    %mul3A_10 = arith.mulf %mul3A, %get3A_9 : vector<2048x64xf32>
    %slice3A_11 = vector.extract_strided_slice %get3A_3 {offsets = [0, 1], sizes = [2048, 1], strides = [1, 1]} : vector<2048x3xf32> to vector<2048x1xf32>
    %get3A_12 = arith.constant 0 : index
    %get3A_13 = arith.constant 1 : index
    %get3A_14 = arith.constant 0 : index
    %get3A_15 = arith.constant 0 : index
    %get3A_16 = vector.load %arg2[%get3A_12, %get3A_13, %get3A_14, %get3A_15] : memref<1x3x2048x64xf32, #tpu.memory_space<vmem>>, vector<1x1x2048x64xf32>
    %get3A_17 = vector.shape_cast %get3A_16 : vector<1x1x2048x64xf32> to vector<2048x64xf32>
    %mul3A_18 = vector.broadcast %slice3A_11 : vector<2048x1xf32> to vector<2048x64xf32>
    %mul3A_19 = arith.mulf %mul3A_18, %get3A_17 : vector<2048x64xf32>
    %add3A = arith.addf %mul3A_10, %mul3A_19 : vector<2048x64xf32>
    %slice3A_20 = vector.extract_strided_slice %get3A_3 {offsets = [0, 2], sizes = [2048, 1], strides = [1, 1]} : vector<2048x3xf32> to vector<2048x1xf32>
    %get3A_21 = arith.constant 0 : index
    %get3A_22 = arith.constant 2 : index
    %get3A_23 = arith.constant 0 : index
    %get3A_24 = arith.constant 0 : index
    %get3A_25 = vector.load %arg2[%get3A_21, %get3A_22, %get3A_23, %get3A_24] : memref<1x3x2048x64xf32, #tpu.memory_space<vmem>>, vector<1x1x2048x64xf32>
    %get3A_26 = vector.shape_cast %get3A_25 : vector<1x1x2048x64xf32> to vector<2048x64xf32>
    %mul3A_27 = vector.broadcast %slice3A_20 : vector<2048x1xf32> to vector<2048x64xf32>
    %mul3A_28 = arith.mulf %mul3A_27, %get3A_26 : vector<2048x64xf32>
    %add3A_29 = arith.addf %add3A, %mul3A_28 : vector<2048x64xf32>
    %get3A_30 = arith.constant 0 : index
    %get3A_31 = arith.constant 0 : index
    %get3A_32 = vector.load %arg5[%get3A_30, %get3A_31] : memref<128x128xf32, #tpu.memory_space<vmem>>, vector<64x128xf32>
    %dot_general3A = arith.constant dense<0.000000e+00> : vector<2048x128xf32>
    %dot_general3A_33 = tpu.matmul %add3A_29, %get3A_32, %dot_general3A {dimension_numbers = #tpu.dot_dimension_numbers<[1], [0], [0], [1], [0, 0, 1, 1], [], []>, transpose_lhs_hint = false} : vector<2048x64xf32>, vector<64x128xf32>, vector<2048x128xf32> -> vector<2048x128xf32>
    %get3A_34 = arith.constant 0 : index
    %get3A_35 = arith.constant 0 : index
    %get3A_36 = arith.constant 0 : index
    %get3A_37 = vector.load %arg4[%get3A_34, %get3A_35, %get3A_36] : memref<1x2048x64xf32, #tpu.memory_space<vmem>>, vector<1x2048x64xf32>
    %get3A_38 = vector.shape_cast %get3A_37 : vector<1x2048x64xf32> to vector<2048x64xf32>
    %get3A_39 = arith.constant 64 : index
    %get3A_40 = arith.constant 0 : index
    %get3A_41 = vector.load %arg5[%get3A_39, %get3A_40] : memref<128x128xf32, #tpu.memory_space<vmem>>, vector<64x128xf32>
    %dot_general3A_42 = arith.constant dense<0.000000e+00> : vector<2048x128xf32>
    %dot_general3A_43 = tpu.matmul %get3A_38, %get3A_41, %dot_general3A_42 {dimension_numbers = #tpu.dot_dimension_numbers<[1], [0], [0], [1], [0, 0, 1, 1], [], []>, transpose_lhs_hint = false} : vector<2048x64xf32>, vector<64x128xf32>, vector<2048x128xf32> -> vector<2048x128xf32>
    %add3A_44 = arith.addf %dot_general3A_33, %dot_general3A_43 : vector<2048x128xf32>
    %get3A_45 = arith.constant 0 : index
    %get3A_46 = arith.constant 0 : index
    %get3A_47 = vector.load %arg6[%get3A_45, %get3A_46] : memref<1x128xf32, #tpu.memory_space<vmem>>, vector<1x128xf32>
    %add3A_48 = vector.broadcast %get3A_47 : vector<1x128xf32> to vector<2048x128xf32>
    %add3A_49 = arith.addf %add3A_44, %add3A_48 : vector<2048x128xf32>
    %swap3A = arith.constant 0 : index
    %swap3A_50 = arith.constant 0 : index
    %swap3A_51 = arith.constant 0 : index
    %swap3A_52 = vector.load %arg7[%swap3A, %swap3A_50, %swap3A_51] : memref<1x2048x128xf32, #tpu.memory_space<vmem>>, vector<1x2048x128xf32>
    %swap3A_53 = vector.shape_cast %swap3A_52 : vector<1x2048x128xf32> to vector<2048x128xf32>
    %swap3A_54 = vector.shape_cast %add3A_49 : vector<2048x128xf32> to vector<1x2048x128xf32>
    tpu.vector_store %arg7[%swap3A, %swap3A_50, %swap3A_51], %swap3A_54 {strides = array<i32>} : memref<1x2048x128xf32, #tpu.memory_space<vmem>>, vector<1x2048x128xf32>,
    %eq3A = arith.constant 0 : i32
    %eq3A_55 = arith.cmpi eq, %arg0, %eq3A : i32
    %eq3A_56 = arith.constant 0 : i32
    %eq3A_57 = arith.cmpi eq, %arg1, %eq3A_56 : i32
    %and3A = arith.andi %eq3A_55, %eq3A_57 : i1
    %convert_element_type3A = arith.extui %and3A : i1 to i32
    %cond3A = arith.constant 0 : i32
    %cond3A_58 = arith.cmpi ne, %convert_element_type3A, %cond3A : i32
    scf.if %cond3A_58 {
      %broadcast_in_dim3A_78 = arith.constant 0.000000e+00 : f32
      %broadcast_in_dim3A_79 = vector.broadcast %broadcast_in_dim3A_78 : f32 to vector<1x128xf32>
      %swap3A_80 = arith.constant 0 : index
      %swap3A_81 = arith.constant 0 : index
      %swap3A_82 = vector.load %arg8[%swap3A_80, %swap3A_81] : memref<1x128xf32, #tpu.memory_space<vmem>>, vector<1x128xf32>
      tpu.vector_store %arg8[%swap3A_80, %swap3A_81], %broadcast_in_dim3A_79 {strides = array<i32>} : memref<1x128xf32, #tpu.memory_space<vmem>>, vector<1x128xf32>,
      %broadcast_in_dim3A_83 = arith.constant 0.000000e+00 : f32
      %broadcast_in_dim3A_84 = vector.broadcast %broadcast_in_dim3A_83 : f32 to vector<1x128xf32>
      %swap3A_85 = arith.constant 0 : index
      %swap3A_86 = arith.constant 0 : index
      %swap3A_87 = vector.load %arg9[%swap3A_85, %swap3A_86] : memref<1x128xf32, #tpu.memory_space<vmem>>, vector<1x128xf32>
      tpu.vector_store %arg9[%swap3A_85, %swap3A_86], %broadcast_in_dim3A_84 {strides = array<i32>} : memref<1x128xf32, #tpu.memory_space<vmem>>, vector<1x128xf32>,
    } else {
    }
    %get3A_59 = arith.constant 0 : index
    %get3A_60 = arith.constant 0 : index
    %get3A_61 = vector.load %arg8[%get3A_59, %get3A_60] : memref<1x128xf32, #tpu.memory_space<vmem>>, vector<1x128xf32>
    %reduce_sum3A = arith.constant dense<0.000000e+00> : vector<128xf32>
    %reduce_sum3A_62 = vector.multi_reduction <add>, %add3A_49, %reduce_sum3A [0] : vector<2048x128xf32> to vector<128xf32>
    %broadcast_in_dim3A = vector.shape_cast %reduce_sum3A_62 : vector<128xf32> to vector<1x128xf32>
    %add3A_63 = arith.addf %get3A_61, %broadcast_in_dim3A : vector<1x128xf32>
    %swap3A_64 = arith.constant 0 : index
    %swap3A_65 = arith.constant 0 : index
    %swap3A_66 = vector.load %arg8[%swap3A_64, %swap3A_65] : memref<1x128xf32, #tpu.memory_space<vmem>>, vector<1x128xf32>
    tpu.vector_store %arg8[%swap3A_64, %swap3A_65], %add3A_63 {strides = array<i32>} : memref<1x128xf32, #tpu.memory_space<vmem>>, vector<1x128xf32>,
    %get3A_67 = arith.constant 0 : index
    %get3A_68 = arith.constant 0 : index
    %get3A_69 = vector.load %arg9[%get3A_67, %get3A_68] : memref<1x128xf32, #tpu.memory_space<vmem>>, vector<1x128xf32>
    %mul3A_70 = arith.mulf %add3A_49, %add3A_49 : vector<2048x128xf32>
    %reduce_sum3A_71 = arith.constant dense<0.000000e+00> : vector<128xf32>
    %reduce_sum3A_72 = vector.multi_reduction <add>, %mul3A_70, %reduce_sum3A_71 [0] : vector<2048x128xf32> to vector<128xf32>
    %broadcast_in_dim3A_73 = vector.shape_cast %reduce_sum3A_72 : vector<128xf32> to vector<1x128xf32>
    %add3A_74 = arith.addf %get3A_69, %broadcast_in_dim3A_73 : vector<1x128xf32>
    %swap3A_75 = arith.constant 0 : index
    %swap3A_76 = arith.constant 0 : index
    %swap3A_77 = vector.load %arg9[%swap3A_75, %swap3A_76] : memref<1x128xf32, #tpu.memory_space<vmem>>, vector<1x128xf32>
    tpu.vector_store %arg9[%swap3A_75, %swap3A_76], %add3A_74 {strides = array<i32>} : memref<1x128xf32, #tpu.memory_space<vmem>>, vector<1x128xf32>,
    return
  }
  func.func @transform_0(%arg0: i32, %arg1: i32) -> (i32, i32, i32, i32) {
    %c0_i32 = arith.constant 0 : i32
    %c0_i32_0 = arith.constant 0 : i32
    %c0_i32_1 = arith.constant 0 : i32
    return %arg0, %c0_i32, %arg1, %c0_i32_0 : i32, i32, i32, i32
  }
  func.func @transform_1(%arg0: i32, %arg1: i32) -> (i32, i32, i32) {
    %c0_i32 = arith.constant 0 : i32
    %c0_i32_0 = arith.constant 0 : i32
    return %arg0, %arg1, %c0_i32 : i32, i32, i32
  }
  func.func @transform_2(%arg0: i32, %arg1: i32) -> (i32, i32, i32) {
    %c0_i32 = arith.constant 0 : i32
    %c0_i32_0 = arith.constant 0 : i32
    return %arg0, %arg1, %c0_i32 : i32, i32, i32
  }
  func.func @transform_3(%arg0: i32, %arg1: i32) -> (i32, i32) {
    %c0_i32 = arith.constant 0 : i32
    %c0_i32_0 = arith.constant 0 : i32
    %c0_i32_1 = arith.constant 0 : i32
    return %c0_i32, %c0_i32_0 : i32, i32
  }
  func.func @transform_4(%arg0: i32, %arg1: i32) -> (i32, i32) {
    %c0_i32 = arith.constant 0 : i32
    %c0_i32_0 = arith.constant 0 : i32
    %c0_i32_1 = arith.constant 0 : i32
    return %c0_i32, %c0_i32_0 : i32, i32
  }
  func.func @transform_5(%arg0: i32, %arg1: i32) -> (i32, i32, i32) {
    %c0_i32 = arith.constant 0 : i32
    %c0_i32_0 = arith.constant 0 : i32
    return %arg0, %arg1, %c0_i32 : i32, i32, i32
  }
  func.func @transform_6(%arg0: i32, %arg1: i32) -> (i32, i32) {
    %c0_i32 = arith.constant 0 : i32
    %c0_i32_0 = arith.constant 0 : i32
    %c0_i32_1 = arith.constant 0 : i32
    return %c0_i32, %c0_i32_0 : i32, i32
  }
  func.func @transform_7(%arg0: i32, %arg1: i32) -> (i32, i32) {
    %c0_i32 = arith.constant 0 : i32
    %c0_i32_0 = arith.constant 0 : i32
    %c0_i32_1 = arith.constant 0 : i32
    return %c0_i32, %c0_i32_0 : i32, i32
  }
}

module attributes {stable_mosaic.version = 14 : i64} {
  func.func @_mlp1_body(%arg0: i32, %arg1: i32, %arg2: memref<1x2048x128xf32, #tpu.memory_space<vmem>>, %arg3: memref<1x128xf32, #tpu.memory_space<vmem>>, %arg4: memref<1x128xf32, #tpu.memory_space<vmem>>, %arg5: memref<1x128xf32, #tpu.memory_space<vmem>>, %arg6: memref<1x128xf32, #tpu.memory_space<vmem>>, %arg7: memref<128x128xf32, #tpu.memory_space<vmem>>, %arg8: memref<1x128xf32, #tpu.memory_space<vmem>>, %arg9: memref<1x2048x128xf32, #tpu.memory_space<vmem>>, %arg10: memref<1x128xf32, #tpu.memory_space<vmem>>, %arg11: memref<1x128xf32, #tpu.memory_space<vmem>>) attributes {dimension_semantics = [#tpu.dimension_semantics<arbitrary>, #tpu.dimension_semantics<arbitrary>], iteration_bounds = array<i64: 8, 4>, scalar_prefetch = 0 : i64, scratch_operands = 0 : i64, tpu.core_type = #tpu.core_type<tc>, window_params = [{transform_indices = @transform_0, window_bounds = array<i64: 1, 2048, 128>}, {pipeline_mode = #tpu.pipeline_mode<synchronous>, transform_indices = @transform_1, window_bounds = array<i64: 1, 128>}, {pipeline_mode = #tpu.pipeline_mode<synchronous>, transform_indices = @transform_2, window_bounds = array<i64: 1, 128>}, {pipeline_mode = #tpu.pipeline_mode<synchronous>, transform_indices = @transform_3, window_bounds = array<i64: 1, 128>}, {pipeline_mode = #tpu.pipeline_mode<synchronous>, transform_indices = @transform_4, window_bounds = array<i64: 1, 128>}, {pipeline_mode = #tpu.pipeline_mode<synchronous>, transform_indices = @transform_5, window_bounds = array<i64: 128, 128>}, {pipeline_mode = #tpu.pipeline_mode<synchronous>, transform_indices = @transform_6, window_bounds = array<i64: 1, 128>}, {transform_indices = @transform_7, window_bounds = array<i64: 1, 2048, 128>}, {pipeline_mode = #tpu.pipeline_mode<synchronous>, transform_indices = @transform_8, window_bounds = array<i64: 1, 128>}, {pipeline_mode = #tpu.pipeline_mode<synchronous>, transform_indices = @transform_9, window_bounds = array<i64: 1, 128>}]} {
    %get3A = arith.constant 0 : index
    %get3A_0 = arith.constant 0 : index
    %get3A_1 = vector.load %arg3[%get3A, %get3A_0] : memref<1x128xf32, #tpu.memory_space<vmem>>, vector<1x128xf32>
    %mul3A = arith.constant 1.52587891E-5 : f32
    %mul3A_2 = vector.broadcast %mul3A : f32 to vector<1x128xf32>
    %mul3A_3 = arith.mulf %get3A_1, %mul3A_2 : vector<1x128xf32>
    %get3A_4 = arith.constant 0 : index
    %get3A_5 = arith.constant 0 : index
    %get3A_6 = vector.load %arg4[%get3A_4, %get3A_5] : memref<1x128xf32, #tpu.memory_space<vmem>>, vector<1x128xf32>
    %mul3A_7 = arith.constant 1.52587891E-5 : f32
    %mul3A_8 = vector.broadcast %mul3A_7 : f32 to vector<1x128xf32>
    %mul3A_9 = arith.mulf %get3A_6, %mul3A_8 : vector<1x128xf32>
    %mul3A_10 = arith.mulf %mul3A_3, %mul3A_3 : vector<1x128xf32>
    %sub3A = arith.subf %mul3A_9, %mul3A_10 : vector<1x128xf32>
    %get3A_11 = arith.constant 0 : index
    %get3A_12 = arith.constant 0 : index
    %get3A_13 = vector.load %arg5[%get3A_11, %get3A_12] : memref<1x128xf32, #tpu.memory_space<vmem>>, vector<1x128xf32>
    %add3A = arith.constant 9.99999974E-6 : f32
    %add3A_14 = vector.broadcast %add3A : f32 to vector<1x128xf32>
    %add3A_15 = arith.addf %sub3A, %add3A_14 : vector<1x128xf32>
    %sqrt3A = math.sqrt %add3A_15 : vector<1x128xf32>
    %div3A = arith.divf %get3A_13, %sqrt3A : vector<1x128xf32>
    %get3A_16 = arith.constant 0 : index
    %get3A_17 = arith.constant 0 : index
    %get3A_18 = vector.load %arg6[%get3A_16, %get3A_17] : memref<1x128xf32, #tpu.memory_space<vmem>>, vector<1x128xf32>
    %mul3A_19 = arith.mulf %mul3A_3, %div3A : vector<1x128xf32>
    %sub3A_20 = arith.subf %get3A_18, %mul3A_19 : vector<1x128xf32>
    %get3A_21 = arith.constant 0 : index
    %get3A_22 = arith.constant 0 : index
    %get3A_23 = arith.constant 0 : index
    %get3A_24 = vector.load %arg2[%get3A_21, %get3A_22, %get3A_23] : memref<1x2048x128xf32, #tpu.memory_space<vmem>>, vector<1x2048x128xf32>
    %get3A_25 = vector.shape_cast %get3A_24 : vector<1x2048x128xf32> to vector<2048x128xf32>
    %mul3A_26 = vector.broadcast %div3A : vector<1x128xf32> to vector<2048x128xf32>
    %mul3A_27 = arith.mulf %get3A_25, %mul3A_26 : vector<2048x128xf32>
    %add3A_28 = vector.broadcast %sub3A_20 : vector<1x128xf32> to vector<2048x128xf32>
    %add3A_29 = arith.addf %mul3A_27, %add3A_28 : vector<2048x128xf32>
    %max3A = arith.constant 0.000000e+00 : f32
    %max3A_30 = vector.broadcast %max3A : f32 to vector<2048x128xf32>
    %max3A_31 = arith.maximumf %add3A_29, %max3A_30 : vector<2048x128xf32>
    %get3A_32 = arith.constant 0 : index
    %get3A_33 = arith.constant 0 : index
    %get3A_34 = vector.load %arg7[%get3A_32, %get3A_33] : memref<128x128xf32, #tpu.memory_space<vmem>>, vector<128x128xf32>
    %dot_general3A = arith.constant dense<0.000000e+00> : vector<2048x128xf32>
    %dot_general3A_35 = tpu.matmul %max3A_31, %get3A_34, %dot_general3A {dimension_numbers = #tpu.dot_dimension_numbers<[1], [0], [0], [1], [0, 0, 1, 1], [], []>, transpose_lhs_hint = false} : vector<2048x128xf32>, vector<128x128xf32>, vector<2048x128xf32> -> vector<2048x128xf32>
    %get3A_36 = arith.constant 0 : index
    %get3A_37 = arith.constant 0 : index
    %get3A_38 = vector.load %arg8[%get3A_36, %get3A_37] : memref<1x128xf32, #tpu.memory_space<vmem>>, vector<1x128xf32>
    %add3A_39 = vector.broadcast %get3A_38 : vector<1x128xf32> to vector<2048x128xf32>
    %add3A_40 = arith.addf %dot_general3A_35, %add3A_39 : vector<2048x128xf32>
    %swap3A = arith.constant 0 : index
    %swap3A_41 = arith.constant 0 : index
    %swap3A_42 = arith.constant 0 : index
    %swap3A_43 = vector.load %arg9[%swap3A, %swap3A_41, %swap3A_42] : memref<1x2048x128xf32, #tpu.memory_space<vmem>>, vector<1x2048x128xf32>
    %swap3A_44 = vector.shape_cast %swap3A_43 : vector<1x2048x128xf32> to vector<2048x128xf32>
    %swap3A_45 = vector.shape_cast %add3A_40 : vector<2048x128xf32> to vector<1x2048x128xf32>
    tpu.vector_store %arg9[%swap3A, %swap3A_41, %swap3A_42], %swap3A_45 {strides = array<i32>} : memref<1x2048x128xf32, #tpu.memory_space<vmem>>, vector<1x2048x128xf32>,
    %eq3A = arith.constant 0 : i32
    %eq3A_46 = arith.cmpi eq, %arg0, %eq3A : i32
    %eq3A_47 = arith.constant 0 : i32
    %eq3A_48 = arith.cmpi eq, %arg1, %eq3A_47 : i32
    %and3A = arith.andi %eq3A_46, %eq3A_48 : i1
    %convert_element_type3A = arith.extui %and3A : i1 to i32
    %cond3A = arith.constant 0 : i32
    %cond3A_49 = arith.cmpi ne, %convert_element_type3A, %cond3A : i32
    scf.if %cond3A_49 {
      %broadcast_in_dim3A_69 = arith.constant 0.000000e+00 : f32
      %broadcast_in_dim3A_70 = vector.broadcast %broadcast_in_dim3A_69 : f32 to vector<1x128xf32>
      %swap3A_71 = arith.constant 0 : index
      %swap3A_72 = arith.constant 0 : index
      %swap3A_73 = vector.load %arg10[%swap3A_71, %swap3A_72] : memref<1x128xf32, #tpu.memory_space<vmem>>, vector<1x128xf32>
      tpu.vector_store %arg10[%swap3A_71, %swap3A_72], %broadcast_in_dim3A_70 {strides = array<i32>} : memref<1x128xf32, #tpu.memory_space<vmem>>, vector<1x128xf32>,
      %broadcast_in_dim3A_74 = arith.constant 0.000000e+00 : f32
      %broadcast_in_dim3A_75 = vector.broadcast %broadcast_in_dim3A_74 : f32 to vector<1x128xf32>
      %swap3A_76 = arith.constant 0 : index
      %swap3A_77 = arith.constant 0 : index
      %swap3A_78 = vector.load %arg11[%swap3A_76, %swap3A_77] : memref<1x128xf32, #tpu.memory_space<vmem>>, vector<1x128xf32>
      tpu.vector_store %arg11[%swap3A_76, %swap3A_77], %broadcast_in_dim3A_75 {strides = array<i32>} : memref<1x128xf32, #tpu.memory_space<vmem>>, vector<1x128xf32>,
    } else {
    }
    %get3A_50 = arith.constant 0 : index
    %get3A_51 = arith.constant 0 : index
    %get3A_52 = vector.load %arg10[%get3A_50, %get3A_51] : memref<1x128xf32, #tpu.memory_space<vmem>>, vector<1x128xf32>
    %reduce_sum3A = arith.constant dense<0.000000e+00> : vector<128xf32>
    %reduce_sum3A_53 = vector.multi_reduction <add>, %add3A_40, %reduce_sum3A [0] : vector<2048x128xf32> to vector<128xf32>
    %broadcast_in_dim3A = vector.shape_cast %reduce_sum3A_53 : vector<128xf32> to vector<1x128xf32>
    %add3A_54 = arith.addf %get3A_52, %broadcast_in_dim3A : vector<1x128xf32>
    %swap3A_55 = arith.constant 0 : index
    %swap3A_56 = arith.constant 0 : index
    %swap3A_57 = vector.load %arg10[%swap3A_55, %swap3A_56] : memref<1x128xf32, #tpu.memory_space<vmem>>, vector<1x128xf32>
    tpu.vector_store %arg10[%swap3A_55, %swap3A_56], %add3A_54 {strides = array<i32>} : memref<1x128xf32, #tpu.memory_space<vmem>>, vector<1x128xf32>,
    %get3A_58 = arith.constant 0 : index
    %get3A_59 = arith.constant 0 : index
    %get3A_60 = vector.load %arg11[%get3A_58, %get3A_59] : memref<1x128xf32, #tpu.memory_space<vmem>>, vector<1x128xf32>
    %mul3A_61 = arith.mulf %add3A_40, %add3A_40 : vector<2048x128xf32>
    %reduce_sum3A_62 = arith.constant dense<0.000000e+00> : vector<128xf32>
    %reduce_sum3A_63 = vector.multi_reduction <add>, %mul3A_61, %reduce_sum3A_62 [0] : vector<2048x128xf32> to vector<128xf32>
    %broadcast_in_dim3A_64 = vector.shape_cast %reduce_sum3A_63 : vector<128xf32> to vector<1x128xf32>
    %add3A_65 = arith.addf %get3A_60, %broadcast_in_dim3A_64 : vector<1x128xf32>
    %swap3A_66 = arith.constant 0 : index
    %swap3A_67 = arith.constant 0 : index
    %swap3A_68 = vector.load %arg11[%swap3A_66, %swap3A_67] : memref<1x128xf32, #tpu.memory_space<vmem>>, vector<1x128xf32>
    tpu.vector_store %arg11[%swap3A_66, %swap3A_67], %add3A_65 {strides = array<i32>} : memref<1x128xf32, #tpu.memory_space<vmem>>, vector<1x128xf32>,
    return
  }
  func.func @transform_0(%arg0: i32, %arg1: i32) -> (i32, i32, i32) {
    %c0_i32 = arith.constant 0 : i32
    %c0_i32_0 = arith.constant 0 : i32
    return %arg0, %arg1, %c0_i32 : i32, i32, i32
  }
  func.func @transform_1(%arg0: i32, %arg1: i32) -> (i32, i32) {
    %c0_i32 = arith.constant 0 : i32
    %c0_i32_0 = arith.constant 0 : i32
    %c0_i32_1 = arith.constant 0 : i32
    return %c0_i32, %c0_i32_0 : i32, i32
  }
  func.func @transform_2(%arg0: i32, %arg1: i32) -> (i32, i32) {
    %c0_i32 = arith.constant 0 : i32
    %c0_i32_0 = arith.constant 0 : i32
    %c0_i32_1 = arith.constant 0 : i32
    return %c0_i32, %c0_i32_0 : i32, i32
  }
  func.func @transform_3(%arg0: i32, %arg1: i32) -> (i32, i32) {
    %c0_i32 = arith.constant 0 : i32
    %c0_i32_0 = arith.constant 0 : i32
    %c0_i32_1 = arith.constant 0 : i32
    return %c0_i32, %c0_i32_0 : i32, i32
  }
  func.func @transform_4(%arg0: i32, %arg1: i32) -> (i32, i32) {
    %c0_i32 = arith.constant 0 : i32
    %c0_i32_0 = arith.constant 0 : i32
    %c0_i32_1 = arith.constant 0 : i32
    return %c0_i32, %c0_i32_0 : i32, i32
  }
  func.func @transform_5(%arg0: i32, %arg1: i32) -> (i32, i32) {
    %c0_i32 = arith.constant 0 : i32
    %c0_i32_0 = arith.constant 0 : i32
    %c0_i32_1 = arith.constant 0 : i32
    return %c0_i32, %c0_i32_0 : i32, i32
  }
  func.func @transform_6(%arg0: i32, %arg1: i32) -> (i32, i32) {
    %c0_i32 = arith.constant 0 : i32
    %c0_i32_0 = arith.constant 0 : i32
    %c0_i32_1 = arith.constant 0 : i32
    return %c0_i32, %c0_i32_0 : i32, i32
  }
  func.func @transform_7(%arg0: i32, %arg1: i32) -> (i32, i32, i32) {
    %c0_i32 = arith.constant 0 : i32
    %c0_i32_0 = arith.constant 0 : i32
    return %arg0, %arg1, %c0_i32 : i32, i32, i32
  }
  func.func @transform_8(%arg0: i32, %arg1: i32) -> (i32, i32) {
    %c0_i32 = arith.constant 0 : i32
    %c0_i32_0 = arith.constant 0 : i32
    %c0_i32_1 = arith.constant 0 : i32
    return %c0_i32, %c0_i32_0 : i32, i32
  }
  func.func @transform_9(%arg0: i32, %arg1: i32) -> (i32, i32) {
    %c0_i32 = arith.constant 0 : i32
    %c0_i32_0 = arith.constant 0 : i32
    %c0_i32_1 = arith.constant 0 : i32
    return %c0_i32, %c0_i32_0 : i32, i32
  }
}

module attributes {stable_mosaic.version = 14 : i64} {
  func.func @_finalize_body(%arg0: i32, %arg1: i32, %arg2: memref<1x2048x128xf32, #tpu.memory_space<vmem>>, %arg3: memref<1x128xf32, #tpu.memory_space<vmem>>, %arg4: memref<1x128xf32, #tpu.memory_space<vmem>>, %arg5: memref<1x128xf32, #tpu.memory_space<vmem>>, %arg6: memref<1x128xf32, #tpu.memory_space<vmem>>, %arg7: memref<1x128x2048xf32, #tpu.memory_space<vmem>>) attributes {dimension_semantics = [#tpu.dimension_semantics<arbitrary>, #tpu.dimension_semantics<arbitrary>], iteration_bounds = array<i64: 8, 4>, scalar_prefetch = 0 : i64, scratch_operands = 0 : i64, tpu.core_type = #tpu.core_type<tc>, window_params = [{transform_indices = @transform_0, window_bounds = array<i64: 1, 2048, 128>}, {pipeline_mode = #tpu.pipeline_mode<synchronous>, transform_indices = @transform_1, window_bounds = array<i64: 1, 128>}, {pipeline_mode = #tpu.pipeline_mode<synchronous>, transform_indices = @transform_2, window_bounds = array<i64: 1, 128>}, {pipeline_mode = #tpu.pipeline_mode<synchronous>, transform_indices = @transform_3, window_bounds = array<i64: 1, 128>}, {pipeline_mode = #tpu.pipeline_mode<synchronous>, transform_indices = @transform_4, window_bounds = array<i64: 1, 128>}, {transform_indices = @transform_5, window_bounds = array<i64: 1, 128, 2048>}]} {
    %get3A = arith.constant 0 : index
    %get3A_0 = arith.constant 0 : index
    %get3A_1 = vector.load %arg3[%get3A, %get3A_0] : memref<1x128xf32, #tpu.memory_space<vmem>>, vector<1x128xf32>
    %mul3A = arith.constant 1.52587891E-5 : f32
    %mul3A_2 = vector.broadcast %mul3A : f32 to vector<1x128xf32>
    %mul3A_3 = arith.mulf %get3A_1, %mul3A_2 : vector<1x128xf32>
    %get3A_4 = arith.constant 0 : index
    %get3A_5 = arith.constant 0 : index
    %get3A_6 = vector.load %arg4[%get3A_4, %get3A_5] : memref<1x128xf32, #tpu.memory_space<vmem>>, vector<1x128xf32>
    %mul3A_7 = arith.constant 1.52587891E-5 : f32
    %mul3A_8 = vector.broadcast %mul3A_7 : f32 to vector<1x128xf32>
    %mul3A_9 = arith.mulf %get3A_6, %mul3A_8 : vector<1x128xf32>
    %mul3A_10 = arith.mulf %mul3A_3, %mul3A_3 : vector<1x128xf32>
    %sub3A = arith.subf %mul3A_9, %mul3A_10 : vector<1x128xf32>
    %get3A_11 = arith.constant 0 : index
    %get3A_12 = arith.constant 0 : index
    %get3A_13 = vector.load %arg5[%get3A_11, %get3A_12] : memref<1x128xf32, #tpu.memory_space<vmem>>, vector<1x128xf32>
    %add3A = arith.constant 9.99999974E-6 : f32
    %add3A_14 = vector.broadcast %add3A : f32 to vector<1x128xf32>
    %add3A_15 = arith.addf %sub3A, %add3A_14 : vector<1x128xf32>
    %sqrt3A = math.sqrt %add3A_15 : vector<1x128xf32>
    %div3A = arith.divf %get3A_13, %sqrt3A : vector<1x128xf32>
    %get3A_16 = arith.constant 0 : index
    %get3A_17 = arith.constant 0 : index
    %get3A_18 = vector.load %arg6[%get3A_16, %get3A_17] : memref<1x128xf32, #tpu.memory_space<vmem>>, vector<1x128xf32>
    %mul3A_19 = arith.mulf %mul3A_3, %div3A : vector<1x128xf32>
    %sub3A_20 = arith.subf %get3A_18, %mul3A_19 : vector<1x128xf32>
    %get3A_21 = arith.constant 0 : index
    %get3A_22 = arith.constant 0 : index
    %get3A_23 = arith.constant 0 : index
    %get3A_24 = vector.load %arg2[%get3A_21, %get3A_22, %get3A_23] : memref<1x2048x128xf32, #tpu.memory_space<vmem>>, vector<1x2048x128xf32>
    %get3A_25 = vector.shape_cast %get3A_24 : vector<1x2048x128xf32> to vector<2048x128xf32>
    %mul3A_26 = vector.broadcast %div3A : vector<1x128xf32> to vector<2048x128xf32>
    %mul3A_27 = arith.mulf %get3A_25, %mul3A_26 : vector<2048x128xf32>
    %add3A_28 = vector.broadcast %sub3A_20 : vector<1x128xf32> to vector<2048x128xf32>
    %add3A_29 = arith.addf %mul3A_27, %add3A_28 : vector<2048x128xf32>
    %max3A = arith.constant 0.000000e+00 : f32
    %max3A_30 = vector.broadcast %max3A : f32 to vector<2048x128xf32>
    %max3A_31 = arith.maximumf %add3A_29, %max3A_30 : vector<2048x128xf32>
    %transpose3A = tpu.transpose %max3A_31, [1, 0] : vector<2048x128xf32> -> vector<128x2048xf32>
    %swap3A = arith.constant 0 : index
    %swap3A_32 = arith.constant 0 : index
    %swap3A_33 = arith.constant 0 : index
    %swap3A_34 = vector.load %arg7[%swap3A, %swap3A_32, %swap3A_33] : memref<1x128x2048xf32, #tpu.memory_space<vmem>>, vector<1x128x2048xf32>
    %swap3A_35 = vector.shape_cast %swap3A_34 : vector<1x128x2048xf32> to vector<128x2048xf32>
    %swap3A_36 = vector.shape_cast %transpose3A : vector<128x2048xf32> to vector<1x128x2048xf32>
    tpu.vector_store %arg7[%swap3A, %swap3A_32, %swap3A_33], %swap3A_36 {strides = array<i32>} : memref<1x128x2048xf32, #tpu.memory_space<vmem>>, vector<1x128x2048xf32>,
    return
  }
  func.func @transform_0(%arg0: i32, %arg1: i32) -> (i32, i32, i32) {
    %c0_i32 = arith.constant 0 : i32
    %c0_i32_0 = arith.constant 0 : i32
    return %arg0, %arg1, %c0_i32 : i32, i32, i32
  }
  func.func @transform_1(%arg0: i32, %arg1: i32) -> (i32, i32) {
    %c0_i32 = arith.constant 0 : i32
    %c0_i32_0 = arith.constant 0 : i32
    %c0_i32_1 = arith.constant 0 : i32
    return %c0_i32, %c0_i32_0 : i32, i32
  }
  func.func @transform_2(%arg0: i32, %arg1: i32) -> (i32, i32) {
    %c0_i32 = arith.constant 0 : i32
    %c0_i32_0 = arith.constant 0 : i32
    %c0_i32_1 = arith.constant 0 : i32
    return %c0_i32, %c0_i32_0 : i32, i32
  }
  func.func @transform_3(%arg0: i32, %arg1: i32) -> (i32, i32) {
    %c0_i32 = arith.constant 0 : i32
    %c0_i32_0 = arith.constant 0 : i32
    %c0_i32_1 = arith.constant 0 : i32
    return %c0_i32, %c0_i32_0 : i32, i32
  }
  func.func @transform_4(%arg0: i32, %arg1: i32) -> (i32, i32) {
    %c0_i32 = arith.constant 0 : i32
    %c0_i32_0 = arith.constant 0 : i32
    %c0_i32_1 = arith.constant 0 : i32
    return %c0_i32, %c0_i32_0 : i32, i32
  }
  func.func @transform_5(%arg0: i32, %arg1: i32) -> (i32, i32, i32) {
    %c0_i32 = arith.constant 0 : i32
    %c0_i32_0 = arith.constant 0 : i32
    return %arg0, %c0_i32, %arg1 : i32, i32, i32
  }
}

</mosaic_0001>

<sc_bundles>
// kernel: _run.7.cloned.1.call-start
scs
__scs_entry_jumppad:
0x0: {  	(pc) =	sbr.rel $0x88, $3  }
0x1: {  	(tag) =	ssettag $0x0;
	lr =	simm.s32 $0x1  }
0x2: {  	[smem:$0x3F95] =	sst lr;
	_ =	strace $0xD0000000  }
0x3: {  	_ = 	snop  }
0x4: {  	_ = 	snop  }
0x5: {  	_ = 	snop  }
0x6: {  	_ = 	snop  }
0x7: {  	_ = 	snop  }
__scs_overlays_trampoline_lowered:
0x8: {  	[smem:$0x3FA4] =	sst s0  }
0x9: {  	[smem:$0x3FA5] =	sst s1  }
0xa: {  	[smem:$0x3FA6] =	sst s2  }
0xb: {  	[smem:$0x3FA7] =	sst s3  }
0xc: {  	[smem:$0x3FA8] =	sst s4  }
0xd: {  	[smem:$0x3FA9] =	sst s5  }
0xe: {  	[smem:$0x3FAA] =	sst s6  }
0xf: {  	[smem:$0x3FAB] =	sst s7  }
0x10: {  	[smem:$0x3FAC] =	sst s8  }
0x11: {  	[smem:$0x3FAD] =	sst s9;
	s0 =	simm.s32 @!p0 $0x0  }
0x12: {  	s1 =	sld [smem:$0x3F93];
	s0 =	simm.s32 @p0 $0x1  }
0x13: {  	[smem:$0x3FAE] =	sst s0;
	s0 =	simm.s32 @!p1 $0x0  }
0x14: {  	s2 =	sld [smem:$0x3F92];
	s0 =	simm.s32 @p1 $0x1  }
0x15: {  	[smem:$0x3FAF] =	sst s0;
	s0 =	simm.s32 @!p2 $0x0  }
0x16: {  	s3 =	sld [smem:$0x3FDB];
	s0 =	simm.s32 @p2 $0x1  }
0x17: {  	s4 =	simm.s32 $0x1BF5;
	[smem:$0x3FB1] =	sst s0  }
0x18: {  	s0 =	sld [smem:$0x3F94];
	_ =	swait.ge [sflag:s4], $0x0  }
0x19: {  	s7 =	sld [smem:$0x3F95]  }
0x1a: {  	s8 =	sadd.s32 $0xFFFFE003, lr  }
0x1b: {  	s9 =	sadd.s32 $0xFFFFFEF7, lr;
	s5 =	simm.s32 $0xFFFFFFFF;
	p2 =	slt.u32 s8, $0xFFFFF086  }
0x1c: {  	p1 =	slt.u32 s9, $0xF7A;
	s5 =	simm.s32 @!p2 $0x0  }
0x1d: {  	s5 =	simm.s32 @p1 $0x1;
	p0 =	seq.s32 s7, s2  }
0x1e: {  	s7 =	smul.u32 @!p0 $0xF7A, s2;
	p2 =	seq.s32 @!p0 s5, $0x0  }
0x1f: {  	s9 =	smul.u32 $0xF7A, s1;
	s8 =	simm.s32 @!p0 $0x1BF5;
	p2 =	por !p2, p0  }
0x20: {  	[sflag:s8] =	ssyncset.s32 @!p0 $0xFFFFF086;
	s6 =	sadd.s32 @!p0 s3, s7;
	s7 =	simm.s32 @!p0 $0x108  }
0x21: {  	s3 =	sadd.s32 s3, s9;
	s6 =	sadd.s32 @!p0 $0x88, s6;
	s7 =	simm.s32 @p2 $0x1082  }
0x22: {  	[simem:s7], [sflag:s8] =	dma.local @!p0 [hbm:s6], $0xF7A  }
0x23: {  	s9 =	sor.u32 $0xD0000000, s2;
	s6 =	simm.s32 $0x108;
	_ =	swait.ge @!p0 [sflag:s8], $0x0  }
0x24: {  	s3 =	sadd.s32 $0x88, s3;
	s6 =	simm.s32 @!p1 $0x1082;
	[sflag:s4] =	ssyncset.s32 $0xFFFFF086  }
0x25: {  	[simem:s6], [sflag:s4] =	dma.local [hbm:s3], $0xF7A  }
0x26: {  	[smem:$0x3F95] =	sst s1;
	(tag) =	ssettag s2;
	_ =	strace s9  }
0x27: {  	s1 =	sld [smem:$0x3FA5]  }
0x28: {  	s2 =	sld [smem:$0x3FA6]  }
0x29: {  	s4 =	sld [smem:$0x3FA8]  }
0x2a: {  	p0 =	seq.s32 s5, $0x0;
	s5 =	sld [smem:$0x3FA9]  }
0x2b: {  	s6 =	sld [smem:$0x3FAA]  }
0x2c: {  	s7 =	sld [smem:$0x3FAB]  }
0x2d: {  	s3 =	simm.s32 $0x108;
	s8 =	sld [smem:$0x3FAC]  }
0x2e: {  	s3 =	simm.s32 @!p0 $0x1082;
	s9 =	sld [smem:$0x3FAD]  }
0x2f: {  	lr =	sadd.s32 s0, s3;
	s0 =	sld [smem:$0x3FA4]  }
0x30: {  	s3 =	sld [smem:$0x3FA7]  }
0x31: {  	[smem:$0x3FB0] =	sst s10  }
0x32: {  	s10 =	sld [smem:$0x3FAE];
	_ =	sdelay $0x3  }
0x33: {  	p0 =	seq.s32 s10, $0x1;
	s10 =	sld [smem:$0x3FB0];
	_ =	sdelay $0x3  }
0x34: {  	[smem:$0x3FB0] =	sst s10  }
0x35: {  	s10 =	sld [smem:$0x3FAF];
	_ =	sdelay $0x3  }
0x36: {  	p1 =	seq.s32 s10, $0x1;
	s10 =	sld [smem:$0x3FB0];
	_ =	sdelay $0x3  }
0x37: {  	[smem:$0x3FB0] =	sst s10  }
0x38: {  	s10 =	sld [smem:$0x3FB1]  }
0x39: {  	_ = 	snop;
	(pc) =	sbr.ind lr, $3  }
0x3a: {  	_ = 	snop  }
0x3b: {  	_ = 	snop  }
0x3c: {  	p2 =	seq.s32 s10, $0x1;
	s10 =	sld [smem:$0x3FB0]  }
0x3d: {  	_ =	shalt  }
0x3e: {  	_ =	shalt  }
0x3f: {  	_ =	shalt  }
0x40: {  	_ =	shalt  }
0x41: {  	_ =	shalt  }
0x42: {  	_ =	shalt  }
0x43: {  	_ =	shalt  }
0x44: {  	_ =	shalt  }
0x45: {  	_ =	shalt  }
0x46: {  	_ =	shalt  }
0x47: {  	_ =	shalt  }
0x48: {  	_ =	shalt  }
0x49: {  	_ =	shalt  }
0x4a: {  	_ =	shalt  }
0x4b: {  	_ =	shalt  }
0x4c: {  	_ =	shalt  }
0x4d: {  	_ =	shalt  }
0x4e: {  	_ =	shalt  }
0x4f: {  	_ =	shalt  }
0x50: {  	_ =	shalt  }
0x51: {  	_ =	shalt  }
0x52: {  	_ =	shalt  }
0x53: {  	_ =	shalt  }
0x54: {  	_ =	shalt  }
0x55: {  	_ =	shalt  }
0x56: {  	_ =	shalt  }
0x57: {  	_ =	shalt  }
0x58: {  	_ =	shalt  }
0x59: {  	_ =	shalt  }
0x5a: {  	_ =	shalt  }
0x5b: {  	_ =	shalt  }
0x5c: {  	_ =	shalt  }
0x5d: {  	_ =	shalt  }
0x5e: {  	_ =	shalt  }
0x5f: {  	_ =	shalt  }
0x60: {  	_ =	shalt  }
0x61: {  	_ =	shalt  }
0x62: {  	_ =	shalt  }
0x63: {  	_ =	shalt  }
0x64: {  	_ =	shalt  }
0x65: {  	_ =	shalt  }
0x66: {  	_ =	shalt  }
0x67: {  	_ =	shalt  }
0x68: {  	_ =	shalt  }
0x69: {  	_ =	shalt  }
0x6a: {  	_ =	shalt  }
0x6b: {  	_ =	shalt  }
0x6c: {  	_ =	shalt  }
0x6d: {  	_ =	shalt  }
0x6e: {  	_ =	shalt  }
0x6f: {  	_ =	shalt  }
0x70: {  	_ =	shalt  }
0x71: {  	_ =	shalt  }
0x72: {  	_ =	shalt  }
0x73: {  	_ =	shalt  }
0x74: {  	_ =	shalt  }
0x75: {  	_ =	shalt  }
0x76: {  	_ =	shalt  }
0x77: {  	_ =	shalt  }
0x78: {  	_ =	shalt  }
0x79: {  	_ =	shalt  }
0x7a: {  	_ =	shalt  }
0x7b: {  	_ =	shalt  }
0x7c: {  	_ =	shalt  }
0x7d: {  	_ =	shalt  }
0x7e: {  	_ =	shalt  }
0x7f: {  	_ =	shalt  }
0x80: {  	_ =	shalt  }
0x81: {  	_ =	shalt  }
0x82: {  	_ =	shalt  }
0x83: {  	_ =	shalt  }
0x84: {  	_ =	shalt  }
0x85: {  	_ =	shalt  }
0x86: {  	_ =	shalt  }
0x87: {  	_ =	shalt  }
.Lfunc_end0:
.L_simem_size_0:
called_computation_lowered:
.L_overlay_start_0:
0x88: {  	s2 =	sld [smem:$0x3FD9]  }
0x89: {  	s3 =	sld [smem:$0x3FFE];
	_ =	sdelay $0x1  }
0x8a: {  	s1 =	srdreg.scid  }
0x8b: {  	s0 =	sand.u32 $0x1, s1  }
0x8c: {  	s16 =	sshll.u32 s0, $0xA;
	s2 =	sadd.s32 s3, s2  }
0x8d: {  	s2 =	sadd.s32 s2, s16  }
0x8e: {  	[smem:$0x3FBC] =	sst s2  }
0x8f: {  	_ = 	snop  }
0x90: {  	(tm) =	ssettm $0x1  }
0x91: {  	s17 =	sld [smem:$0x3FFB];
	_ =	sdelay $0x3  }
0x92: {  	_ =	strace s17  }
0x93: {  	s2 =	sld [smem:$0x3FFC];
	_ =	sdelay $0x3  }
0x94: {  	_ =	strace s2  }
0x95: {  	s2 =	sld [smem:$0x3FFD];
	_ =	sdelay $0x3  }
0x96: {  	_ =	strace s2  }
0x97: {  	_ =	strace $0x8FFFFFFF  }
0x98: {  	s18 =	sld [smem:$0x3FDB];
	_ =	sdelay $0x1  }
0x99: {  	s19 =	simm.s32 $_scs_section_size  }
0x9a: {  	s4 =	simm.s32 $_size__tile_overlayer_lowered;
	s5 =	simm.s32 $_tile_overlayer_lowered  }
0x9b: {  	s22 =	simm.s32 $0x1BFF;
	s21 =	sshll.u32 s5, $0x1;
	s2 =	sadd.s32 s19, s18  }
0x9c: {  	s6 =	simm.s32 $0x0;
	s20 =	sshll.u32 s4, $0x1;
	s4 =	sadd.s32 s21, s2  }
0x9d: {  	[timem:s6], [sflag:s22] =	dma.local [hbm:s4], s20  }
0x9e: {  	_ =	swait.ge [sflag:s22], s20  }
0x9f: {  	s3 =	ssub.s32 $0x0, s20;
	[sflag:s22] =	ssyncset.done $0x0  }
0xa0: {  	[sflag:s22] =	ssyncadd.s32 s3;
	_ =	sdelay $0x1  }
0xa1: {  	s23 =	simm.s32 $0x1B8B  }
0xa2: {  	_ =	swait.ge [sflag:s23], $0x1  }
0xa3: {  	[sflag:s23] =	ssyncset.done $0x0  }
0xa4: {  	s25 =	simm.s32 $0x1B8E;
	s24 =	sld [smem:$0x3FFE];
	[sflag:s23] =	ssyncadd.s32 $0xFFFFFFFF  }
0xa5: {  	s26 =	simm.s32 $execute0_lowered;
	[smem:$0x3FD2] =	sst s25  }
0xa6: {  	s4 =	sshll.u32 s26, $0x1;
	_ =	strace $0x80000046;
	[dreg:$0x1] =	wrdreg $0xFFFFFFFF  }
0xa7: {  	s28 =	simm.s32 $_size_execute0_lowered;
	s2 =	sadd.s32 s2, s4;
	[dreg:$0x0] =	wrdreg $0x0  }
0xa8: {  	s4 =	sshll.u32 s28, $0x1;
	[dreg:$0x2] =	wrdreg s2  }
0xa9: {  	[dreg:$0x3] =	wrdreg s4  }
0xaa: {  	[dreg:$0x4] =	wrdreg $0xC0  }
0xab: {  	_ =	task [dreg:s6], $0x5FFFF  }
0xac: {  	[dreg:$0x1] =	wrdreg $0xFFFFFFFF  }
0xad: {  	[dreg:$0x0] =	wrdreg $0x60  }
0xae: {  	[dreg:$0x2] =	wrdreg s24  }
0xaf: {  	[dreg:$0x3] =	wrdreg $0x9  }
0xb0: {  	_ =	task.clear_ibuf [dreg:s6], $0x4FFFF;
	_ =	strace $0x90000046  }
0xb1: {  	s29 =	simm.s32 $0x9;
	_ =	strace $0x80000048  }
0xb2: {  	_ =	swait.ge [sflag:s29], $0x1  }
0xb3: {  	[sflag:s29] =	ssyncadd.s32 $0xFFFFFFFF  }
0xb4: {  	_ =	strace $0x90000048  }
0xb5: {  	_ =	sfence  }
0xb6: {  	s30 =	sld [smem:$0x0];
	_ =	sdelay $0x2  }
0xb7: {  	s31 =	sshll.u32 s1, $0xD;
	s1 =	sshrl.u32 s1, $0x2  }
0xb8: {  	s3 =	sand.u32 $0x4000, s31;
	s1 =	sadd.s32 s1, s30  }
0xb9: {  	s0 =	sor.u32 s3, s0;
	s1 =	sshll.u32 s1, $0x11  }
0xba: {  	s0 =	sor.u32 s1, s0  }
0xbb: {  	s0 =	sadd.s32 $0x8F2B, s0  }
0xbc: {  	[sflag:s0] =	ssyncadd.remote.s32 $0x1  }
0xbd: {  	_ =	sfence.sel $0xFFFF  }
0xbe: {  	[dreg:$0x0] =	wrdreg $0xFFFFFFFF;
	(pc) =	sbr.abs _section_cstart, $3  }
0xbf: {  	[dreg:$0x1] =	wrdreg $0xFFFFFFFF  }
0xc0: {  	_ =	task.clear_ibuf [dreg:s6], $0x2FFFF;
	_ =	strace $0x9FFFFFFF  }
0xc1: {  	(tm) =	ssettm $0x7FFFFFFF  }
tec
execute0_lowered:
.L_overlay_start_1:
0x0: {  	(tag) =	ssettag $0x1  }
0x1: {  	s1 =	srdreg.scid  }
0x2: {  	s0 =	stileid.u32;
	s3 =	rddreg [dreg:$0x0]  }
0x3: {  	s2 =	simm.s32 $0x0;
	s9 =	simm.s32 $0x400;
	s10 =	simm.s32 $0x2400  }
0x4: {  	s11 =	simm.s32 $0x100;
	s12 =	simm.s32 $0x4400;
	s13 =	simm.s32 $0x180  }
0x5: {  	s14 =	simm.s32 $0x6400;
	s15 =	simm.s32 $0x200;
	s16 =	simm.s32 $0x8400  }
0x6: {  	s17 =	simm.s32 $0x280;
	s18 =	simm.s32 $0xA400;
	s19 =	simm.s32 $0x300  }
0x7: {  	s20 =	simm.s32 $0xC400;
	s21 =	simm.s32 $0x380;
	s22 =	simm.s32 $0xE400  }
0x8: {  	s23 =	simm.s32 $0x1;
	s4 =	sand.u32 $0x1, s1;
	s5 =	smul.u32 $0x3000, s0  }
0x9: {  	s24 =	simm.s32 $0x0;
	[smem:$0x7FF] =	sst s2;
	s6 =	smul.u32 $0x1800, s4  }
0xa: {  	s1 =	rddreg [dreg:$0x1];
	s29 =	smul.u32 $0x18000, s0;
	_ =	strace $0x80000047  }
0xb: {  	s7 =	ssub.s32 $0x2, s4;
	s4 =	smul.u32 $0xC000, s4;
	s5 =	sadd.s32 s6, s5  }
0xc: {  	s30 =	sadd.s32 s29, s3;
	s31 =	sshrl.u32 s7, $0x1;
	s5 =	sshrl.u32 s5, $0x3  }
0xd: {  	s6 =	ssub.s32 s7, s31;
	s7 =	simm.s32 $0x2;
	s8 =	sadd.s32 s5, s3  }
0xe: {  	s3 =	sadd.s32 $0x112C00, s3;
	s5 =	sadd.s32 s4, s30;
	s4 =	smax.u32 s6, $0x1  }
0xf: {  	s5 =	sadd.s32 $0x132C00, s5;
	s6 =	sadd.s32 $0x10CC00, s8;
	s8 =	simm.s32 $0x80  }
.LBB2_1:
0x10: {  	s25 =	sadd.s32 $0x0, s6  }
0x11: {  	[tilespmem:s2], [sflag:$0x2] =	stream.linear.gather [hbm4b:s25+s2], $0x400, $0x38;
	[tilespmem:$0x10400] =	vst v63  }
0x12: {  	_ =	swait.ge [sflag:s7], $0x400  }
0x13: {  	[sflag:s7] =	ssyncset.done $0x0  }
0x14: {  	[sflag:s7] =	ssyncadd.s32 $0xFFFFFC00  }
0x15: {  	[tilespmem:s9], [sflag:$0x1] =	stream.indirect.gather [hbm4b:s3+s8], $0x40, s2, s8, $0xb8;
	[tilespmem:$0x10400] =	vst v63  }
0x16: {  	_ = 	snop  }
0x17: {  	[tilespmem:s10], [sflag:$0x1] =	stream.indirect.gather [hbm4b:s3+s8], $0x40, s8, s8, $0xb8;
	[tilespmem:$0x10400] =	vst v63  }
0x18: {  	_ = 	snop  }
0x19: {  	[tilespmem:s12], [sflag:$0x1] =	stream.indirect.gather [hbm4b:s3+s8], $0x40, s11, s8, $0xb8;
	[tilespmem:$0x10400] =	vst v63  }
0x1a: {  	_ = 	snop  }
0x1b: {  	[tilespmem:s14], [sflag:$0x1] =	stream.indirect.gather [hbm4b:s3+s8], $0x40, s13, s8, $0xb8;
	[tilespmem:$0x10400] =	vst v63  }
0x1c: {  	_ = 	snop  }
0x1d: {  	[tilespmem:s16], [sflag:$0x1] =	stream.indirect.gather [hbm4b:s3+s8], $0x40, s15, s8, $0xb8;
	[tilespmem:$0x10400] =	vst v63  }
0x1e: {  	_ = 	snop  }
0x1f: {  	[tilespmem:s18], [sflag:$0x1] =	stream.indirect.gather [hbm4b:s3+s8], $0x40, s17, s8, $0xb8;
	[tilespmem:$0x10400] =	vst v63  }
0x20: {  	_ = 	snop  }
0x21: {  	[tilespmem:s20], [sflag:$0x1] =	stream.indirect.gather [hbm4b:s3+s8], $0x40, s19, s8, $0xb8;
	[tilespmem:$0x10400] =	vst v63  }
0x22: {  	_ = 	snop  }
0x23: {  	[tilespmem:s22], [sflag:$0x1] =	stream.indirect.gather [hbm4b:s3+s8], $0x40, s21, s8, $0xb8;
	[tilespmem:$0x10400] =	vst v63  }
0x24: {  	_ =	swait.ge [sflag:s23], $0x2000  }
0x25: {  	[sflag:s23] =	ssyncset.done $0x0  }
0x26: {  	[sflag:s23] =	ssyncadd.s32 $0xFFFFE000  }
0x27: {  	_ =	swait.ge [sflag:s23], $0x2000  }
0x28: {  	[sflag:s23] =	ssyncset.done $0x0  }
0x29: {  	[sflag:s23] =	ssyncadd.s32 $0xFFFFE000  }
0x2a: {  	_ =	swait.ge [sflag:s23], $0x2000  }
0x2b: {  	[sflag:s23] =	ssyncset.done $0x0  }
0x2c: {  	[sflag:s23] =	ssyncadd.s32 $0xFFFFE000  }
0x2d: {  	_ =	swait.ge [sflag:s23], $0x2000  }
0x2e: {  	[sflag:s23] =	ssyncset.done $0x0  }
0x2f: {  	[sflag:s23] =	ssyncadd.s32 $0xFFFFE000  }
0x30: {  	_ =	swait.ge [sflag:s23], $0x2000  }
0x31: {  	[sflag:s23] =	ssyncset.done $0x0  }
0x32: {  	[sflag:s23] =	ssyncadd.s32 $0xFFFFE000  }
0x33: {  	_ =	swait.ge [sflag:s23], $0x2000  }
0x34: {  	[sflag:s23] =	ssyncset.done $0x0  }
0x35: {  	[sflag:s23] =	ssyncadd.s32 $0xFFFFE000  }
0x36: {  	_ =	swait.ge [sflag:s23], $0x2000  }
0x37: {  	[sflag:s23] =	ssyncset.done $0x0  }
0x38: {  	[sflag:s23] =	ssyncadd.s32 $0xFFFFE000  }
0x39: {  	_ =	swait.ge [sflag:s23], $0x2000  }
0x3a: {  	[sflag:s23] =	ssyncset.done $0x0  }
0x3b: {  	[sflag:s23] =	ssyncadd.s32 $0xFFFFE000  }
0x3c: {  	[hbm4b:s5+s2] =	stream.linear.scatter [tilespmem:s9], [sflag:$0x2], $0x10000, $0x38;
	[tilespmem:$0x10400] =	vst v63  }
0x3d: {  	s26 =	simm.s32 $0x80;
	_ =	swait.ge [sflag:s7], $0x10000  }
0x3e: {  	s29 =	simm.s32 $0x100;
	s25 =	sadd.s32 $0x2000, s5;
	[sflag:s7] =	ssyncset.done $0x0  }
.LBB2_2:
0x3f: {  	s30 =	sadd.s32 s26, s6  }
0x40: {  	[sflag:s7] =	ssyncadd.s32 $0xFFFF0000;
	s26 =	smov.u32 s29;
	s28 =	sadd.s32 $0x80, s29  }
0x41: {  	[tilespmem:s2], [sflag:$0x2] =	stream.linear.gather [hbm4b:s30+s2], $0x400, $0x38;
	[tilespmem:$0x10400] =	vst v63  }
0x42: {  	p0 =	sne.s32 s29, $0x280;
	_ =	swait.ge [sflag:s7], $0x400  }
0x43: {  	[sflag:s7] =	ssyncset.done $0x0  }
0x44: {  	[sflag:s7] =	ssyncadd.s32 $0xFFFFFC00  }
0x45: {  	[tilespmem:s9], [sflag:$0x1] =	stream.indirect.gather [hbm4b:s3+s8], $0x40, s2, s8, $0xb8;
	[tilespmem:$0x10400] =	vst v63  }
0x46: {  	_ = 	snop  }
0x47: {  	[tilespmem:s10], [sflag:$0x1] =	stream.indirect.gather [hbm4b:s3+s8], $0x40, s8, s8, $0xb8;
	[tilespmem:$0x10400] =	vst v63  }
0x48: {  	_ = 	snop  }
0x49: {  	[tilespmem:s12], [sflag:$0x1] =	stream.indirect.gather [hbm4b:s3+s8], $0x40, s11, s8, $0xb8;
	[tilespmem:$0x10400] =	vst v63  }
0x4a: {  	_ = 	snop  }
0x4b: {  	[tilespmem:s14], [sflag:$0x1] =	stream.indirect.gather [hbm4b:s3+s8], $0x40, s13, s8, $0xb8;
	[tilespmem:$0x10400] =	vst v63  }
0x4c: {  	_ = 	snop  }
0x4d: {  	[tilespmem:s16], [sflag:$0x1] =	stream.indirect.gather [hbm4b:s3+s8], $0x40, s15, s8, $0xb8;
	[tilespmem:$0x10400] =	vst v63  }
0x4e: {  	_ = 	snop  }
0x4f: {  	[tilespmem:s18], [sflag:$0x1] =	stream.indirect.gather [hbm4b:s3+s8], $0x40, s17, s8, $0xb8;
	[tilespmem:$0x10400] =	vst v63  }
0x50: {  	_ = 	snop  }
0x51: {  	[tilespmem:s20], [sflag:$0x1] =	stream.indirect.gather [hbm4b:s3+s8], $0x40, s19, s8, $0xb8;
	[tilespmem:$0x10400] =	vst v63  }
0x52: {  	_ = 	snop  }
0x53: {  	[tilespmem:s22], [sflag:$0x1] =	stream.indirect.gather [hbm4b:s3+s8], $0x40, s21, s8, $0xb8;
	[tilespmem:$0x10400] =	vst v63  }
0x54: {  	_ =	swait.ge [sflag:s23], $0x2000  }
0x55: {  	[sflag:s23] =	ssyncset.done $0x0  }
0x56: {  	[sflag:s23] =	ssyncadd.s32 $0xFFFFE000  }
0x57: {  	_ =	swait.ge [sflag:s23], $0x2000  }
0x58: {  	[sflag:s23] =	ssyncset.done $0x0  }
0x59: {  	[sflag:s23] =	ssyncadd.s32 $0xFFFFE000  }
0x5a: {  	_ =	swait.ge [sflag:s23], $0x2000  }
0x5b: {  	[sflag:s23] =	ssyncset.done $0x0  }
0x5c: {  	[sflag:s23] =	ssyncadd.s32 $0xFFFFE000  }
0x5d: {  	_ =	swait.ge [sflag:s23], $0x2000  }
0x5e: {  	[sflag:s23] =	ssyncset.done $0x0  }
0x5f: {  	[sflag:s23] =	ssyncadd.s32 $0xFFFFE000  }
0x60: {  	_ =	swait.ge [sflag:s23], $0x2000  }
0x61: {  	[sflag:s23] =	ssyncset.done $0x0  }
0x62: {  	[sflag:s23] =	ssyncadd.s32 $0xFFFFE000  }
0x63: {  	_ =	swait.ge [sflag:s23], $0x2000  }
0x64: {  	[sflag:s23] =	ssyncset.done $0x0  }
0x65: {  	[sflag:s23] =	ssyncadd.s32 $0xFFFFE000  }
0x66: {  	_ =	swait.ge [sflag:s23], $0x2000  }
0x67: {  	[sflag:s23] =	ssyncset.done $0x0  }
0x68: {  	[sflag:s23] =	ssyncadd.s32 $0xFFFFE000  }
0x69: {  	_ =	swait.ge [sflag:s23], $0x2000  }
.Ltmp0:
0x6a: {  	[sflag:s23] =	ssyncset.done $0x0;
	(pc) =	sbr.rel @p0 .LBB2_2-.Ltmp0, $4  }
0x6b: {  	[sflag:s23] =	ssyncadd.s32 $0xFFFFE000  }
0x6c: {  	[hbm4b:s25+s2] =	stream.linear.scatter [tilespmem:s9], [sflag:$0x2], $0x10000, $0x38;
	[tilespmem:$0x10400] =	vst v63  }
0x6d: {  	_ =	swait.ge [sflag:s7], $0x10000  }
0x6e: {  	s29 =	smov.u32 s28;
	s25 =	sadd.s32 $0x2000, s25;
	[sflag:s7] =	ssyncset.done $0x0  }
0x6f: {  	s26 =	sadd.s32 s26, s6;
	[sflag:s7] =	ssyncadd.s32 $0xFFFF0000  }
0x70: {  	[tilespmem:s2], [sflag:$0x2] =	stream.linear.gather [hbm4b:s26+s2], $0x400, $0x38;
	[tilespmem:$0x10400] =	vst v63  }
0x71: {  	_ =	swait.ge [sflag:s7], $0x400  }
0x72: {  	[sflag:s7] =	ssyncset.done $0x0  }
0x73: {  	[sflag:s7] =	ssyncadd.s32 $0xFFFFFC00  }
0x74: {  	[tilespmem:s9], [sflag:$0x1] =	stream.indirect.gather [hbm4b:s3+s8], $0x40, s2, s8, $0xb8;
	[tilespmem:$0x10400] =	vst v63  }
0x75: {  	_ = 	snop  }
0x76: {  	[tilespmem:s10], [sflag:$0x1] =	stream.indirect.gather [hbm4b:s3+s8], $0x40, s8, s8, $0xb8;
	[tilespmem:$0x10400] =	vst v63  }
0x77: {  	_ = 	snop  }
0x78: {  	[tilespmem:s12], [sflag:$0x1] =	stream.indirect.gather [hbm4b:s3+s8], $0x40, s11, s8, $0xb8;
	[tilespmem:$0x10400] =	vst v63  }
0x79: {  	_ = 	snop  }
0x7a: {  	[tilespmem:s14], [sflag:$0x1] =	stream.indirect.gather [hbm4b:s3+s8], $0x40, s13, s8, $0xb8;
	[tilespmem:$0x10400] =	vst v63  }
0x7b: {  	_ = 	snop  }
0x7c: {  	[tilespmem:s16], [sflag:$0x1] =	stream.indirect.gather [hbm4b:s3+s8], $0x40, s15, s8, $0xb8;
	[tilespmem:$0x10400] =	vst v63  }
0x7d: {  	_ = 	snop  }
0x7e: {  	[tilespmem:s18], [sflag:$0x1] =	stream.indirect.gather [hbm4b:s3+s8], $0x40, s17, s8, $0xb8;
	[tilespmem:$0x10400] =	vst v63  }
0x7f: {  	_ = 	snop  }
0x80: {  	[tilespmem:s20], [sflag:$0x1] =	stream.indirect.gather [hbm4b:s3+s8], $0x40, s19, s8, $0xb8;
	[tilespmem:$0x10400] =	vst v63  }
0x81: {  	_ = 	snop  }
0x82: {  	[tilespmem:s22], [sflag:$0x1] =	stream.indirect.gather [hbm4b:s3+s8], $0x40, s21, s8, $0xb8;
	[tilespmem:$0x10400] =	vst v63  }
0x83: {  	_ =	swait.ge [sflag:s23], $0x2000  }
0x84: {  	[sflag:s23] =	ssyncset.done $0x0  }
0x85: {  	[sflag:s23] =	ssyncadd.s32 $0xFFFFE000  }
0x86: {  	_ =	swait.ge [sflag:s23], $0x2000  }
0x87: {  	[sflag:s23] =	ssyncset.done $0x0  }
0x88: {  	[sflag:s23] =	ssyncadd.s32 $0xFFFFE000  }
0x89: {  	_ =	swait.ge [sflag:s23], $0x2000  }
0x8a: {  	[sflag:s23] =	ssyncset.done $0x0  }
0x8b: {  	[sflag:s23] =	ssyncadd.s32 $0xFFFFE000  }
0x8c: {  	_ =	swait.ge [sflag:s23], $0x2000  }
0x8d: {  	[sflag:s23] =	ssyncset.done $0x0  }
0x8e: {  	[sflag:s23] =	ssyncadd.s32 $0xFFFFE000  }
0x8f: {  	_ =	swait.ge [sflag:s23], $0x2000  }
0x90: {  	[sflag:s23] =	ssyncset.done $0x0  }
0x91: {  	[sflag:s23] =	ssyncadd.s32 $0xFFFFE000  }
0x92: {  	_ =	swait.ge [sflag:s23], $0x2000  }
0x93: {  	[sflag:s23] =	ssyncset.done $0x0  }
0x94: {  	[sflag:s23] =	ssyncadd.s32 $0xFFFFE000  }
0x95: {  	_ =	swait.ge [sflag:s23], $0x2000  }
0x96: {  	[sflag:s23] =	ssyncset.done $0x0  }
0x97: {  	[sflag:s23] =	ssyncadd.s32 $0xFFFFE000  }
0x98: {  	s24 =	sadd.s32 $0x1, s24;
	_ =	swait.ge [sflag:s23], $0x2000  }
0x99: {  	p0 =	sne.s32 s24, s4;
	[sflag:s23] =	ssyncset.done $0x0  }
.Ltmp1:
0x9a: {  	[sflag:s23] =	ssyncadd.s32 $0xFFFFE000;
	(pc) =	sbr.rel @p0 .LBB2_1-.Ltmp1, $4  }
0x9b: {  	[hbm4b:s25+s2] =	stream.linear.scatter [tilespmem:s9], [sflag:$0x2], $0x10000, $0x38;
	[tilespmem:$0x10400] =	vst v63  }
0x9c: {  	_ =	swait.ge [sflag:s7], $0x10000  }
0x9d: {  	[sflag:s7] =	ssyncset.done $0x0  }
0x9e: {  	[sflag:s7] =	ssyncadd.s32 $0xFFFF0000  }
0x9f: {  	_ =	sfence.sel $0x180000  }
0xa0: {  	[bflag:$0x0] =	sbarrier.arrive $0xFFFF  }
0xa1: {  	p0 =	sne.s32 s0, $0x0;
	_ =	strace $0x90000047  }
0xa2: {  	s0 =	sadd.s32 @!p0 $0x100000, s1;
	[bflag:$0x2] =	sbarrier.arrive $0xFFFF  }
0xa3: {  	[sflag:s0] =	ssyncadd.tile.s32 @!p0 $0x1;
	_ =	shalt  }
.Lfunc_end2:
_tile_overlayer_lowered:
.L_overlay_start_2:
0xa4: {  	(tag) =	ssettag $0x2  }
0xa5: {  	s0 =	rddreg [dreg:$0x0];
	s2 =	stileid.u32  }
0xa6: {  	s1 =	rddreg [dreg:$0x1];
	p0 =	sne.s32 s2, $0x0  }
0xa7: {  	s3 =	rddreg [dreg:$0x2];
	[bflag:$0x3] =	sbarrier.arrive $0xFFFF;
	s2 =	simm.s32 @!p0 $0x1C02  }
0xa8: {  	[timem:s3], [sflag:s2] =	dma.local @!p0 [hbm:s0], s1  }
0xa9: {  	s0 =	simm.s32 @!p0 $0x2  }
0xaa: {  	_ =	swait.ge @!p0 [sflag:s0], s1  }
0xab: {  	s1 =	ssub.s32 @!p0 $0x0, s1;
	[sflag:s0] =	ssyncset.done @!p0 $0x0  }
0xac: {  	[sflag:s0] =	ssyncadd.s32 @!p0 s1  }
0xad: {  	[bflag:$0x3] =	sbarrier.arrive $0xFFFF  }
0xae: {  	_ =	shalt  }

</sc_bundles>
